<compile_context>
chip_gen: v7x
topology: tpu7x:2x2x1
jax: 0.10.2.dev20260603
libtpu: 0.0.44.dev20260713+nightly
codegen_flags: <defaults>
</compile_context>

<pallas_src>
import functools

import jax
import jax.numpy as jnp
from jax import lax
from jax.experimental import pallas as pl
from jax.experimental.pallas import tpu as pltpu
from jax.experimental.pallas import tpu_sc as plsc

D_MODEL = 64
D_PAD = 128
CHUNK = 128
NBUF = 5
NC = 2
NS = 16
NW = NC * NS


def _make_lookup(n_chunks: int):
    mesh = plsc.VectorSubcoreMesh(core_axis_name="c", subcore_axis_name="s")

    @functools.partial(
        pl.kernel,
        out_type=jax.ShapeDtypeStruct((NW, n_chunks, CHUNK, D_PAD), jnp.float32),
        mesh=mesh,
        scratch_types=(
            [pltpu.VMEM((n_chunks, CHUNK), jnp.int32),
             pltpu.VMEM((NBUF, CHUNK, D_PAD), jnp.float32)]
            + [pltpu.SemaphoreType.DMA] * (2 * NBUF)
        ),
        compiler_params=pltpu.CompilerParams(use_tc_tiling_on_sc=True),
    )
    def lookup(idx_hbm, tbl_hbm, out_hbm, idx_v, rows_v, *sems):
        gsems, ssems = sems[:NBUF], sems[NBUF:]
        wid = lax.axis_index("s") * NC + lax.axis_index("c")
        pltpu.sync_copy(idx_hbm.at[wid], idx_v)

        def start_gather(b, j):
            pltpu.async_copy(tbl_hbm.at[idx_v.at[j]], rows_v.at[b], gsems[b])

        def wait_gather(b, j):
            pltpu.make_async_copy(
                tbl_hbm.at[idx_v.at[j]], rows_v.at[b], gsems[b]
            ).wait()

        def start_store(b, j):
            pltpu.async_copy(rows_v.at[b], out_hbm.at[wid, j], ssems[b])

        def wait_store(b, j):
            pltpu.make_async_copy(
                rows_v.at[b], out_hbm.at[wid, j], ssems[b]
            ).wait()

        for b in range(NBUF):
            start_gather(b, b)

        def outer(g, carry):
            j0 = g * NBUF
            for b in range(NBUF):
                wait_gather(b, j0 + b)
                start_store(b, j0 + b)
            for b in range(NBUF):
                wait_store(b, j0 + b)
                start_gather(b, j0 + b + NBUF)
            return carry

        lax.fori_loop(0, n_chunks // NBUF - 1, outer, 0)

        j0 = n_chunks - NBUF
        for b in range(NBUF):
            wait_gather(b, j0 + b)
            start_store(b, j0 + b)
        for b in range(NBUF):
            wait_store(b, j0 + b)

    return lookup


def kernel(x, table):
    b0, b1 = x.shape
    total = b0 * b1
    n_chunks = total // (NW * CHUNK)
    idx = x.astype(jnp.int32).reshape(NW, n_chunks, CHUNK)
    tbl = jnp.pad(table, ((0, 0), (0, D_PAD - D_MODEL)))
    out = _make_lookup(n_chunks)(idx, tbl)
    return out.reshape(total, D_PAD)[:, :D_MODEL].reshape(b0, b1, D_MODEL)

# --- scband reference (transcript-rebuilt; emitter-appended) ---
"""Pipeline reference for scband-embedder-20186346291806 (READ-ONLY COPY).

The authoritative reference and input builder live on the scoring server;
editing this copy changes nothing except your own understanding.
"""

import jax, jax.numpy as jnp
import numpy as np

VOCAB = 1000000
D_MODEL = 64

def setup_inputs(seed: int = 0) -> dict:
    key = jax.random.key(seed)
    k1, k2 = jax.random.split(key)
    x = jax.random.randint(k1, (4096, 200), 0, VOCAB, dtype=jnp.int64 if jax.config.jax_enable_x64 else jnp.int32)
    table = jax.random.normal(k2, (VOCAB, D_MODEL), dtype=jnp.float32)
    return {"x": x, "table": table}

def reference(x, table):
    # Embedder.forward: self.embed(x.int()) -> plain embedding lookup
    idx = x.astype(jnp.int32)
    return jnp.take(table, idx, axis=0)

if __name__ == "__main__":
    import jax
    _d = setup_inputs()
    print(jax.jit(kernel)(*tuple(_d.values())))

</pallas_src>

<mosaic_0001>
#map = affine_map<(d0, d1) -> (0, 0, 0)>
#map1 = affine_map<(d0, d1) -> (0, 0)>
#map2 = affine_map<(d0, d1) -> (0, 0, 0, 0)>
module attributes {stable_mosaic.version = 14 : i64} {
  func.func @lookup(%arg0: i32, %arg1: i32, %arg2: memref<32x200x128xi32, #tpu.memory_space<hbm>>, %arg3: memref<1000000x128xf32, #tpu.memory_space<hbm>>, %arg4: memref<32x200x128x128xf32, #tpu.memory_space<hbm>>, %arg5: memref<200x128xi32, #tpu.memory_space<vmem>>, %arg6: memref<5x128x128xf32, #tpu.memory_space<vmem>>, %arg7: memref<!tpu.dma_semaphore, #tpu.memory_space<semaphore_mem>>, %arg8: memref<!tpu.dma_semaphore, #tpu.memory_space<semaphore_mem>>, %arg9: memref<!tpu.dma_semaphore, #tpu.memory_space<semaphore_mem>>, %arg10: memref<!tpu.dma_semaphore, #tpu.memory_space<semaphore_mem>>, %arg11: memref<!tpu.dma_semaphore, #tpu.memory_space<semaphore_mem>>, %arg12: memref<!tpu.dma_semaphore, #tpu.memory_space<semaphore_mem>>, %arg13: memref<!tpu.dma_semaphore, #tpu.memory_space<semaphore_mem>>, %arg14: memref<!tpu.dma_semaphore, #tpu.memory_space<semaphore_mem>>, %arg15: memref<!tpu.dma_semaphore, #tpu.memory_space<semaphore_mem>>, %arg16: memref<!tpu.dma_semaphore, #tpu.memory_space<semaphore_mem>>) attributes {dimension_semantics = [#tpu.dimension_semantics<core_parallel>, #tpu.dimension_semantics<subcore_parallel>], iteration_bounds = array<i64: 2, 16>, scalar_prefetch = 0 : i64, scratch_operands = 12 : i64, tpu.core_type = #tpu.core_type<sc_vector_subcore>, window_params = [{transform_indices = #map}, {transform_indices = #map1}, {transform_indices = #map2}]} {
    %mul3A = arith.constant 2 : i32
    %mul3A_0 = arith.muli %arg1, %mul3A : i32
    %add3A = arith.addi %mul3A_0, %arg0 : i32
    "tpu.region"() ({
      %run_scoped3A = tpu.sem_alloc : memref<!tpu.dma_semaphore, #tpu.memory_space<semaphore_mem>>
      %dma_start3A_304 = arith.constant 0 : i32
      %dma_start3A_305 = arith.constant 0 : i32
      %dma_start3A_306 = tpu.memref_slice %arg2[%add3A, %dma_start3A_304, %dma_start3A_305] : memref<32x200x128xi32, #tpu.memory_space<hbm>> -> memref<1x200x128xi32, #tpu.memory_space<hbm>>
      %dma_start3A_307 = tpu.memref_squeeze %dma_start3A_306 : memref<1x200x128xi32, #tpu.memory_space<hbm>> -> memref<200x128xi32, #tpu.memory_space<hbm>>
      %dma_start3A_308 = arith.constant 0 : i32
      %dma_start3A_309 = arith.constant 0 : i32
      %dma_start3A_310 = tpu.memref_slice %arg2[%add3A, %dma_start3A_308, %dma_start3A_309] : memref<32x200x128xi32, #tpu.memory_space<hbm>> -> memref<1x200x128xi32, #tpu.memory_space<hbm>>
      %dma_start3A_311 = tpu.memref_squeeze %dma_start3A_310 : memref<1x200x128xi32, #tpu.memory_space<hbm>> -> memref<200x128xi32, #tpu.memory_space<hbm>>
      tpu.enqueue_dma source(%dma_start3A_311 : memref<200x128xi32, #tpu.memory_space<hbm>>) target(%arg5 : memref<200x128xi32, #tpu.memory_space<vmem>>) target_semaphore(%run_scoped3A : memref<!tpu.dma_semaphore, #tpu.memory_space<semaphore_mem>>)
      %dma_wait3A_312 = arith.constant 0 : i32
      %dma_wait3A_313 = arith.constant 0 : i32
      %dma_wait3A_314 = tpu.memref_slice %arg2[%add3A, %dma_wait3A_312, %dma_wait3A_313] : memref<32x200x128xi32, #tpu.memory_space<hbm>> -> memref<1x200x128xi32, #tpu.memory_space<hbm>>
      %dma_wait3A_315 = tpu.memref_squeeze %dma_wait3A_314 : memref<1x200x128xi32, #tpu.memory_space<hbm>> -> memref<200x128xi32, #tpu.memory_space<hbm>>
      %dma_wait3A_316 = arith.constant 0 : i32
      %dma_wait3A_317 = arith.constant 0 : i32
      %dma_wait3A_318 = tpu.memref_slice %arg2[%add3A, %dma_wait3A_316, %dma_wait3A_317] : memref<32x200x128xi32, #tpu.memory_space<hbm>> -> memref<1x200x128xi32, #tpu.memory_space<hbm>>
      %dma_wait3A_319 = tpu.memref_squeeze %dma_wait3A_318 : memref<1x200x128xi32, #tpu.memory_space<hbm>> -> memref<200x128xi32, #tpu.memory_space<hbm>>
      tpu.wait_dma2 semaphore(%run_scoped3A : memref<!tpu.dma_semaphore, #tpu.memory_space<semaphore_mem>>) src(%dma_wait3A_319 : memref<200x128xi32, #tpu.memory_space<hbm>>) dst(%arg5 : memref<200x128xi32, #tpu.memory_space<vmem>>)
      tpu.yield
    }) : () -> ()
    %dma_start3A = arith.constant 0 : i32
    %dma_start3A_1 = arith.constant 0 : i32
    %dma_start3A_2 = arith.constant 0 : i32
    %dma_start3A_3 = arith.constant 0 : i32
    %dma_start3A_4 = tpu.memref_slice %arg6[%dma_start3A_1, %dma_start3A_2, %dma_start3A_3] : memref<5x128x128xf32, #tpu.memory_space<vmem>> -> memref<1x128x128xf32, #tpu.memory_space<vmem>>
    %dma_start3A_5 = tpu.memref_squeeze %dma_start3A_4 : memref<1x128x128xf32, #tpu.memory_space<vmem>> -> memref<128x128xf32, #tpu.memory_space<vmem>>
    %dma_start3A_6 = arith.constant 0 : i32
    %dma_start3A_7 = tpu.memref_slice %arg5[%dma_start3A, %dma_start3A_6] : memref<200x128xi32, #tpu.memory_space<vmem>> -> memref<1x128xi32, #tpu.memory_space<vmem>>
    %dma_start3A_8 = tpu.memref_squeeze %dma_start3A_7 : memref<1x128xi32, #tpu.memory_space<vmem>> -> memref<128xi32, #tpu.memory_space<vmem>>
    %dma_start3A_9 = arith.constant 0 : i32
    %dma_start3A_10 = arith.constant 0 : i32
    %dma_start3A_11 = tpu.memref_slice %arg3[%dma_start3A_9, %dma_start3A_10] : memref<1000000x128xf32, #tpu.memory_space<hbm>> -> memref<1000000x128xf32, #tpu.memory_space<hbm>>
    tpu.enqueue_indirect_dma source(%dma_start3A_11 : memref<1000000x128xf32, #tpu.memory_space<hbm>>) target(%dma_start3A_5 : memref<128x128xf32, #tpu.memory_space<vmem>>) offsets(%dma_start3A_8 : memref<128xi32, #tpu.memory_space<vmem>>) semaphore(%arg7 : memref<!tpu.dma_semaphore, #tpu.memory_space<semaphore_mem>>)
    %dma_start3A_12 = arith.constant 1 : i32
    %dma_start3A_13 = arith.constant 1 : i32
    %dma_start3A_14 = arith.constant 0 : i32
    %dma_start3A_15 = arith.constant 0 : i32
    %dma_start3A_16 = tpu.memref_slice %arg6[%dma_start3A_13, %dma_start3A_14, %dma_start3A_15] : memref<5x128x128xf32, #tpu.memory_space<vmem>> -> memref<1x128x128xf32, #tpu.memory_space<vmem>>
    %dma_start3A_17 = tpu.memref_squeeze %dma_start3A_16 : memref<1x128x128xf32, #tpu.memory_space<vmem>> -> memref<128x128xf32, #tpu.memory_space<vmem>>
    %dma_start3A_18 = arith.constant 0 : i32
    %dma_start3A_19 = tpu.memref_slice %arg5[%dma_start3A_12, %dma_start3A_18] : memref<200x128xi32, #tpu.memory_space<vmem>> -> memref<1x128xi32, #tpu.memory_space<vmem>>
    %dma_start3A_20 = tpu.memref_squeeze %dma_start3A_19 : memref<1x128xi32, #tpu.memory_space<vmem>> -> memref<128xi32, #tpu.memory_space<vmem>>
    %dma_start3A_21 = arith.constant 0 : i32
    %dma_start3A_22 = arith.constant 0 : i32
    %dma_start3A_23 = tpu.memref_slice %arg3[%dma_start3A_21, %dma_start3A_22] : memref<1000000x128xf32, #tpu.memory_space<hbm>> -> memref<1000000x128xf32, #tpu.memory_space<hbm>>
    tpu.enqueue_indirect_dma source(%dma_start3A_23 : memref<1000000x128xf32, #tpu.memory_space<hbm>>) target(%dma_start3A_17 : memref<128x128xf32, #tpu.memory_space<vmem>>) offsets(%dma_start3A_20 : memref<128xi32, #tpu.memory_space<vmem>>) semaphore(%arg8 : memref<!tpu.dma_semaphore, #tpu.memory_space<semaphore_mem>>)
    %dma_start3A_24 = arith.constant 2 : i32
    %dma_start3A_25 = arith.constant 2 : i32
    %dma_start3A_26 = arith.constant 0 : i32
    %dma_start3A_27 = arith.constant 0 : i32
    %dma_start3A_28 = tpu.memref_slice %arg6[%dma_start3A_25, %dma_start3A_26, %dma_start3A_27] : memref<5x128x128xf32, #tpu.memory_space<vmem>> -> memref<1x128x128xf32, #tpu.memory_space<vmem>>
    %dma_start3A_29 = tpu.memref_squeeze %dma_start3A_28 : memref<1x128x128xf32, #tpu.memory_space<vmem>> -> memref<128x128xf32, #tpu.memory_space<vmem>>
    %dma_start3A_30 = arith.constant 0 : i32
    %dma_start3A_31 = tpu.memref_slice %arg5[%dma_start3A_24, %dma_start3A_30] : memref<200x128xi32, #tpu.memory_space<vmem>> -> memref<1x128xi32, #tpu.memory_space<vmem>>
    %dma_start3A_32 = tpu.memref_squeeze %dma_start3A_31 : memref<1x128xi32, #tpu.memory_space<vmem>> -> memref<128xi32, #tpu.memory_space<vmem>>
    %dma_start3A_33 = arith.constant 0 : i32
    %dma_start3A_34 = arith.constant 0 : i32
    %dma_start3A_35 = tpu.memref_slice %arg3[%dma_start3A_33, %dma_start3A_34] : memref<1000000x128xf32, #tpu.memory_space<hbm>> -> memref<1000000x128xf32, #tpu.memory_space<hbm>>
    tpu.enqueue_indirect_dma source(%dma_start3A_35 : memref<1000000x128xf32, #tpu.memory_space<hbm>>) target(%dma_start3A_29 : memref<128x128xf32, #tpu.memory_space<vmem>>) offsets(%dma_start3A_32 : memref<128xi32, #tpu.memory_space<vmem>>) semaphore(%arg9 : memref<!tpu.dma_semaphore, #tpu.memory_space<semaphore_mem>>)
    %dma_start3A_36 = arith.constant 3 : i32
    %dma_start3A_37 = arith.constant 3 : i32
    %dma_start3A_38 = arith.constant 0 : i32
    %dma_start3A_39 = arith.constant 0 : i32
    %dma_start3A_40 = tpu.memref_slice %arg6[%dma_start3A_37, %dma_start3A_38, %dma_start3A_39] : memref<5x128x128xf32, #tpu.memory_space<vmem>> -> memref<1x128x128xf32, #tpu.memory_space<vmem>>
    %dma_start3A_41 = tpu.memref_squeeze %dma_start3A_40 : memref<1x128x128xf32, #tpu.memory_space<vmem>> -> memref<128x128xf32, #tpu.memory_space<vmem>>
    %dma_start3A_42 = arith.constant 0 : i32
    %dma_start3A_43 = tpu.memref_slice %arg5[%dma_start3A_36, %dma_start3A_42] : memref<200x128xi32, #tpu.memory_space<vmem>> -> memref<1x128xi32, #tpu.memory_space<vmem>>
    %dma_start3A_44 = tpu.memref_squeeze %dma_start3A_43 : memref<1x128xi32, #tpu.memory_space<vmem>> -> memref<128xi32, #tpu.memory_space<vmem>>
    %dma_start3A_45 = arith.constant 0 : i32
    %dma_start3A_46 = arith.constant 0 : i32
    %dma_start3A_47 = tpu.memref_slice %arg3[%dma_start3A_45, %dma_start3A_46] : memref<1000000x128xf32, #tpu.memory_space<hbm>> -> memref<1000000x128xf32, #tpu.memory_space<hbm>>
    tpu.enqueue_indirect_dma source(%dma_start3A_47 : memref<1000000x128xf32, #tpu.memory_space<hbm>>) target(%dma_start3A_41 : memref<128x128xf32, #tpu.memory_space<vmem>>) offsets(%dma_start3A_44 : memref<128xi32, #tpu.memory_space<vmem>>) semaphore(%arg10 : memref<!tpu.dma_semaphore, #tpu.memory_space<semaphore_mem>>)
    %dma_start3A_48 = arith.constant 4 : i32
    %dma_start3A_49 = arith.constant 4 : i32
    %dma_start3A_50 = arith.constant 0 : i32
    %dma_start3A_51 = arith.constant 0 : i32
    %dma_start3A_52 = tpu.memref_slice %arg6[%dma_start3A_49, %dma_start3A_50, %dma_start3A_51] : memref<5x128x128xf32, #tpu.memory_space<vmem>> -> memref<1x128x128xf32, #tpu.memory_space<vmem>>
    %dma_start3A_53 = tpu.memref_squeeze %dma_start3A_52 : memref<1x128x128xf32, #tpu.memory_space<vmem>> -> memref<128x128xf32, #tpu.memory_space<vmem>>
    %dma_start3A_54 = arith.constant 0 : i32
    %dma_start3A_55 = tpu.memref_slice %arg5[%dma_start3A_48, %dma_start3A_54] : memref<200x128xi32, #tpu.memory_space<vmem>> -> memref<1x128xi32, #tpu.memory_space<vmem>>
    %dma_start3A_56 = tpu.memref_squeeze %dma_start3A_55 : memref<1x128xi32, #tpu.memory_space<vmem>> -> memref<128xi32, #tpu.memory_space<vmem>>
    %dma_start3A_57 = arith.constant 0 : i32
    %dma_start3A_58 = arith.constant 0 : i32
    %dma_start3A_59 = tpu.memref_slice %arg3[%dma_start3A_57, %dma_start3A_58] : memref<1000000x128xf32, #tpu.memory_space<hbm>> -> memref<1000000x128xf32, #tpu.memory_space<hbm>>
    tpu.enqueue_indirect_dma source(%dma_start3A_59 : memref<1000000x128xf32, #tpu.memory_space<hbm>>) target(%dma_start3A_53 : memref<128x128xf32, #tpu.memory_space<vmem>>) offsets(%dma_start3A_56 : memref<128xi32, #tpu.memory_space<vmem>>) semaphore(%arg11 : memref<!tpu.dma_semaphore, #tpu.memory_space<semaphore_mem>>)
    %scan3A = arith.constant 0 : i32
    %scan3A_60 = arith.constant 0 : i32
    %scan3A_61 = arith.constant 39 : i32
    %scan3A_62 = arith.addi %scan3A_60, %scan3A_61 : i32
    %scan3A_63 = arith.constant 1 : i32
    scf.for %scan3A_304 = %scan3A_60 to %scan3A_62 step %scan3A_63  : i32 {
      %mul3A_305 = arith.constant 5 : i32
      %mul3A_306 = arith.muli %scan3A_304, %mul3A_305 : i32
      %add3A_307 = arith.constant 0 : i32
      %add3A_308 = arith.addi %mul3A_306, %add3A_307 : i32
      %dma_wait3A_309 = arith.constant 0 : i32
      %dma_wait3A_310 = arith.constant 0 : i32
      %dma_wait3A_311 = arith.constant 0 : i32
      %dma_wait3A_312 = tpu.memref_slice %arg6[%dma_wait3A_309, %dma_wait3A_310, %dma_wait3A_311] : memref<5x128x128xf32, #tpu.memory_space<vmem>> -> memref<1x128x128xf32, #tpu.memory_space<vmem>>
      %dma_wait3A_313 = tpu.memref_squeeze %dma_wait3A_312 : memref<1x128x128xf32, #tpu.memory_space<vmem>> -> memref<128x128xf32, #tpu.memory_space<vmem>>
      %dma_wait3A_314 = arith.constant 0 : i32
      %dma_wait3A_315 = tpu.memref_slice %arg5[%add3A_308, %dma_wait3A_314] : memref<200x128xi32, #tpu.memory_space<vmem>> -> memref<1x128xi32, #tpu.memory_space<vmem>>
      %dma_wait3A_316 = tpu.memref_squeeze %dma_wait3A_315 : memref<1x128xi32, #tpu.memory_space<vmem>> -> memref<128xi32, #tpu.memory_space<vmem>>
      %dma_wait3A_317 = arith.constant 0 : i32
      %dma_wait3A_318 = arith.constant 0 : i32
      %dma_wait3A_319 = tpu.memref_slice %arg3[%dma_wait3A_317, %dma_wait3A_318] : memref<1000000x128xf32, #tpu.memory_space<hbm>> -> memref<1000000x128xf32, #tpu.memory_space<hbm>>
      tpu.wait_indirect_dma semaphore(%arg7 : memref<!tpu.dma_semaphore, #tpu.memory_space<semaphore_mem>>) src(%dma_wait3A_319 : memref<1000000x128xf32, #tpu.memory_space<hbm>>) dst(%dma_wait3A_313 : memref<128x128xf32, #tpu.memory_space<vmem>>)
      %add3A_320 = arith.constant 0 : i32
      %add3A_321 = arith.addi %mul3A_306, %add3A_320 : i32
      %dma_start3A_322 = arith.constant 0 : i32
      %dma_start3A_323 = arith.constant 0 : i32
      %dma_start3A_324 = arith.constant 0 : i32
      %dma_start3A_325 = tpu.memref_slice %arg6[%dma_start3A_322, %dma_start3A_323, %dma_start3A_324] : memref<5x128x128xf32, #tpu.memory_space<vmem>> -> memref<1x128x128xf32, #tpu.memory_space<vmem>>
      %dma_start3A_326 = tpu.memref_squeeze %dma_start3A_325 : memref<1x128x128xf32, #tpu.memory_space<vmem>> -> memref<128x128xf32, #tpu.memory_space<vmem>>
      %dma_start3A_327 = arith.constant 0 : i32
      %dma_start3A_328 = arith.constant 0 : i32
      %dma_start3A_329 = tpu.memref_slice %arg4[%add3A, %add3A_321, %dma_start3A_327, %dma_start3A_328] : memref<32x200x128x128xf32, #tpu.memory_space<hbm>> -> memref<1x1x128x128xf32, #tpu.memory_space<hbm>>
      %dma_start3A_330 = tpu.memref_squeeze %dma_start3A_329 : memref<1x1x128x128xf32, #tpu.memory_space<hbm>> -> memref<128x128xf32, #tpu.memory_space<hbm>>
      %dma_start3A_331 = arith.constant 0 : i32
      %dma_start3A_332 = arith.constant 0 : i32
      %dma_start3A_333 = tpu.memref_slice %arg4[%add3A, %add3A_321, %dma_start3A_331, %dma_start3A_332] : memref<32x200x128x128xf32, #tpu.memory_space<hbm>> -> memref<1x1x128x128xf32, #tpu.memory_space<hbm>>
      %dma_start3A_334 = tpu.memref_squeeze %dma_start3A_333 : memref<1x1x128x128xf32, #tpu.memory_space<hbm>> -> memref<128x128xf32, #tpu.memory_space<hbm>>
      %dma_start3A_335 = arith.constant 0 : i32
      %dma_start3A_336 = arith.constant 0 : i32
      %dma_start3A_337 = tpu.memref_slice %arg6[%dma_start3A_322, %dma_start3A_335, %dma_start3A_336] : memref<5x128x128xf32, #tpu.memory_space<vmem>> -> memref<1x128x128xf32, #tpu.memory_space<vmem>>
      %dma_start3A_338 = tpu.memref_squeeze %dma_start3A_337 : memref<1x128x128xf32, #tpu.memory_space<vmem>> -> memref<128x128xf32, #tpu.memory_space<vmem>>
      tpu.enqueue_dma source(%dma_start3A_338 : memref<128x128xf32, #tpu.memory_space<vmem>>) target(%dma_start3A_334 : memref<128x128xf32, #tpu.memory_space<hbm>>) target_semaphore(%arg12 : memref<!tpu.dma_semaphore, #tpu.memory_space<semaphore_mem>>)
      %add3A_339 = arith.constant 1 : i32
      %add3A_340 = arith.addi %mul3A_306, %add3A_339 : i32
      %dma_wait3A_341 = arith.constant 1 : i32
      %dma_wait3A_342 = arith.constant 0 : i32
      %dma_wait3A_343 = arith.constant 0 : i32
      %dma_wait3A_344 = tpu.memref_slice %arg6[%dma_wait3A_341, %dma_wait3A_342, %dma_wait3A_343] : memref<5x128x128xf32, #tpu.memory_space<vmem>> -> memref<1x128x128xf32, #tpu.memory_space<vmem>>
      %dma_wait3A_345 = tpu.memref_squeeze %dma_wait3A_344 : memref<1x128x128xf32, #tpu.memory_space<vmem>> -> memref<128x128xf32, #tpu.memory_space<vmem>>
      %dma_wait3A_346 = arith.constant 0 : i32
      %dma_wait3A_347 = tpu.memref_slice %arg5[%add3A_340, %dma_wait3A_346] : memref<200x128xi32, #tpu.memory_space<vmem>> -> memref<1x128xi32, #tpu.memory_space<vmem>>
      %dma_wait3A_348 = tpu.memref_squeeze %dma_wait3A_347 : memref<1x128xi32, #tpu.memory_space<vmem>> -> memref<128xi32, #tpu.memory_space<vmem>>
      %dma_wait3A_349 = arith.constant 0 : i32
      %dma_wait3A_350 = arith.constant 0 : i32
      %dma_wait3A_351 = tpu.memref_slice %arg3[%dma_wait3A_349, %dma_wait3A_350] : memref<1000000x128xf32, #tpu.memory_space<hbm>> -> memref<1000000x128xf32, #tpu.memory_space<hbm>>
      tpu.wait_indirect_dma semaphore(%arg8 : memref<!tpu.dma_semaphore, #tpu.memory_space<semaphore_mem>>) src(%dma_wait3A_351 : memref<1000000x128xf32, #tpu.memory_space<hbm>>) dst(%dma_wait3A_345 : memref<128x128xf32, #tpu.memory_space<vmem>>)
      %add3A_352 = arith.constant 1 : i32
      %add3A_353 = arith.addi %mul3A_306, %add3A_352 : i32
      %dma_start3A_354 = arith.constant 1 : i32
      %dma_start3A_355 = arith.constant 0 : i32
      %dma_start3A_356 = arith.constant 0 : i32
      %dma_start3A_357 = tpu.memref_slice %arg6[%dma_start3A_354, %dma_start3A_355, %dma_start3A_356] : memref<5x128x128xf32, #tpu.memory_space<vmem>> -> memref<1x128x128xf32, #tpu.memory_space<vmem>>
      %dma_start3A_358 = tpu.memref_squeeze %dma_start3A_357 : memref<1x128x128xf32, #tpu.memory_space<vmem>> -> memref<128x128xf32, #tpu.memory_space<vmem>>
      %dma_start3A_359 = arith.constant 0 : i32
      %dma_start3A_360 = arith.constant 0 : i32
      %dma_start3A_361 = tpu.memref_slice %arg4[%add3A, %add3A_353, %dma_start3A_359, %dma_start3A_360] : memref<32x200x128x128xf32, #tpu.memory_space<hbm>> -> memref<1x1x128x128xf32, #tpu.memory_space<hbm>>
      %dma_start3A_362 = tpu.memref_squeeze %dma_start3A_361 : memref<1x1x128x128xf32, #tpu.memory_space<hbm>> -> memref<128x128xf32, #tpu.memory_space<hbm>>
      %dma_start3A_363 = arith.constant 0 : i32
      %dma_start3A_364 = arith.constant 0 : i32
      %dma_start3A_365 = tpu.memref_slice %arg4[%add3A, %add3A_353, %dma_start3A_363, %dma_start3A_364] : memref<32x200x128x128xf32, #tpu.memory_space<hbm>> -> memref<1x1x128x128xf32, #tpu.memory_space<hbm>>
      %dma_start3A_366 = tpu.memref_squeeze %dma_start3A_365 : memref<1x1x128x128xf32, #tpu.memory_space<hbm>> -> memref<128x128xf32, #tpu.memory_space<hbm>>
      %dma_start3A_367 = arith.constant 0 : i32
      %dma_start3A_368 = arith.constant 0 : i32
      %dma_start3A_369 = tpu.memref_slice %arg6[%dma_start3A_354, %dma_start3A_367, %dma_start3A_368] : memref<5x128x128xf32, #tpu.memory_space<vmem>> -> memref<1x128x128xf32, #tpu.memory_space<vmem>>
      %dma_start3A_370 = tpu.memref_squeeze %dma_start3A_369 : memref<1x128x128xf32, #tpu.memory_space<vmem>> -> memref<128x128xf32, #tpu.memory_space<vmem>>
      tpu.enqueue_dma source(%dma_start3A_370 : memref<128x128xf32, #tpu.memory_space<vmem>>) target(%dma_start3A_366 : memref<128x128xf32, #tpu.memory_space<hbm>>) target_semaphore(%arg13 : memref<!tpu.dma_semaphore, #tpu.memory_space<semaphore_mem>>)
      %add3A_371 = arith.constant 2 : i32
      %add3A_372 = arith.addi %mul3A_306, %add3A_371 : i32
      %dma_wait3A_373 = arith.constant 2 : i32
      %dma_wait3A_374 = arith.constant 0 : i32
      %dma_wait3A_375 = arith.constant 0 : i32
      %dma_wait3A_376 = tpu.memref_slice %arg6[%dma_wait3A_373, %dma_wait3A_374, %dma_wait3A_375] : memref<5x128x128xf32, #tpu.memory_space<vmem>> -> memref<1x128x128xf32, #tpu.memory_space<vmem>>
      %dma_wait3A_377 = tpu.memref_squeeze %dma_wait3A_376 : memref<1x128x128xf32, #tpu.memory_space<vmem>> -> memref<128x128xf32, #tpu.memory_space<vmem>>
      %dma_wait3A_378 = arith.constant 0 : i32
      %dma_wait3A_379 = tpu.memref_slice %arg5[%add3A_372, %dma_wait3A_378] : memref<200x128xi32, #tpu.memory_space<vmem>> -> memref<1x128xi32, #tpu.memory_space<vmem>>
      %dma_wait3A_380 = tpu.memref_squeeze %dma_wait3A_379 : memref<1x128xi32, #tpu.memory_space<vmem>> -> memref<128xi32, #tpu.memory_space<vmem>>
      %dma_wait3A_381 = arith.constant 0 : i32
      %dma_wait3A_382 = arith.constant 0 : i32
      %dma_wait3A_383 = tpu.memref_slice %arg3[%dma_wait3A_381, %dma_wait3A_382] : memref<1000000x128xf32, #tpu.memory_space<hbm>> -> memref<1000000x128xf32, #tpu.memory_space<hbm>>
      tpu.wait_indirect_dma semaphore(%arg9 : memref<!tpu.dma_semaphore, #tpu.memory_space<semaphore_mem>>) src(%dma_wait3A_383 : memref<1000000x128xf32, #tpu.memory_space<hbm>>) dst(%dma_wait3A_377 : memref<128x128xf32, #tpu.memory_space<vmem>>)
      %add3A_384 = arith.constant 2 : i32
      %add3A_385 = arith.addi %mul3A_306, %add3A_384 : i32
      %dma_start3A_386 = arith.constant 2 : i32
      %dma_start3A_387 = arith.constant 0 : i32
      %dma_start3A_388 = arith.constant 0 : i32
      %dma_start3A_389 = tpu.memref_slice %arg6[%dma_start3A_386, %dma_start3A_387, %dma_start3A_388] : memref<5x128x128xf32, #tpu.memory_space<vmem>> -> memref<1x128x128xf32, #tpu.memory_space<vmem>>
      %dma_start3A_390 = tpu.memref_squeeze %dma_start3A_389 : memref<1x128x128xf32, #tpu.memory_space<vmem>> -> memref<128x128xf32, #tpu.memory_space<vmem>>
      %dma_start3A_391 = arith.constant 0 : i32
      %dma_start3A_392 = arith.constant 0 : i32
      %dma_start3A_393 = tpu.memref_slice %arg4[%add3A, %add3A_385, %dma_start3A_391, %dma_start3A_392] : memref<32x200x128x128xf32, #tpu.memory_space<hbm>> -> memref<1x1x128x128xf32, #tpu.memory_space<hbm>>
      %dma_start3A_394 = tpu.memref_squeeze %dma_start3A_393 : memref<1x1x128x128xf32, #tpu.memory_space<hbm>> -> memref<128x128xf32, #tpu.memory_space<hbm>>
      %dma_start3A_395 = arith.constant 0 : i32
      %dma_start3A_396 = arith.constant 0 : i32
      %dma_start3A_397 = tpu.memref_slice %arg4[%add3A, %add3A_385, %dma_start3A_395, %dma_start3A_396] : memref<32x200x128x128xf32, #tpu.memory_space<hbm>> -> memref<1x1x128x128xf32, #tpu.memory_space<hbm>>
      %dma_start3A_398 = tpu.memref_squeeze %dma_start3A_397 : memref<1x1x128x128xf32, #tpu.memory_space<hbm>> -> memref<128x128xf32, #tpu.memory_space<hbm>>
      %dma_start3A_399 = arith.constant 0 : i32
      %dma_start3A_400 = arith.constant 0 : i32
      %dma_start3A_401 = tpu.memref_slice %arg6[%dma_start3A_386, %dma_start3A_399, %dma_start3A_400] : memref<5x128x128xf32, #tpu.memory_space<vmem>> -> memref<1x128x128xf32, #tpu.memory_space<vmem>>
      %dma_start3A_402 = tpu.memref_squeeze %dma_start3A_401 : memref<1x128x128xf32, #tpu.memory_space<vmem>> -> memref<128x128xf32, #tpu.memory_space<vmem>>
      tpu.enqueue_dma source(%dma_start3A_402 : memref<128x128xf32, #tpu.memory_space<vmem>>) target(%dma_start3A_398 : memref<128x128xf32, #tpu.memory_space<hbm>>) target_semaphore(%arg14 : memref<!tpu.dma_semaphore, #tpu.memory_space<semaphore_mem>>)
      %add3A_403 = arith.constant 3 : i32
      %add3A_404 = arith.addi %mul3A_306, %add3A_403 : i32
      %dma_wait3A_405 = arith.constant 3 : i32
      %dma_wait3A_406 = arith.constant 0 : i32
      %dma_wait3A_407 = arith.constant 0 : i32
      %dma_wait3A_408 = tpu.memref_slice %arg6[%dma_wait3A_405, %dma_wait3A_406, %dma_wait3A_407] : memref<5x128x128xf32, #tpu.memory_space<vmem>> -> memref<1x128x128xf32, #tpu.memory_space<vmem>>
      %dma_wait3A_409 = tpu.memref_squeeze %dma_wait3A_408 : memref<1x128x128xf32, #tpu.memory_space<vmem>> -> memref<128x128xf32, #tpu.memory_space<vmem>>
      %dma_wait3A_410 = arith.constant 0 : i32
      %dma_wait3A_411 = tpu.memref_slice %arg5[%add3A_404, %dma_wait3A_410] : memref<200x128xi32, #tpu.memory_space<vmem>> -> memref<1x128xi32, #tpu.memory_space<vmem>>
      %dma_wait3A_412 = tpu.memref_squeeze %dma_wait3A_411 : memref<1x128xi32, #tpu.memory_space<vmem>> -> memref<128xi32, #tpu.memory_space<vmem>>
      %dma_wait3A_413 = arith.constant 0 : i32
      %dma_wait3A_414 = arith.constant 0 : i32
      %dma_wait3A_415 = tpu.memref_slice %arg3[%dma_wait3A_413, %dma_wait3A_414] : memref<1000000x128xf32, #tpu.memory_space<hbm>> -> memref<1000000x128xf32, #tpu.memory_space<hbm>>
      tpu.wait_indirect_dma semaphore(%arg10 : memref<!tpu.dma_semaphore, #tpu.memory_space<semaphore_mem>>) src(%dma_wait3A_415 : memref<1000000x128xf32, #tpu.memory_space<hbm>>) dst(%dma_wait3A_409 : memref<128x128xf32, #tpu.memory_space<vmem>>)
      %add3A_416 = arith.constant 3 : i32
      %add3A_417 = arith.addi %mul3A_306, %add3A_416 : i32
      %dma_start3A_418 = arith.constant 3 : i32
      %dma_start3A_419 = arith.constant 0 : i32
      %dma_start3A_420 = arith.constant 0 : i32
      %dma_start3A_421 = tpu.memref_slice %arg6[%dma_start3A_418, %dma_start3A_419, %dma_start3A_420] : memref<5x128x128xf32, #tpu.memory_space<vmem>> -> memref<1x128x128xf32, #tpu.memory_space<vmem>>
      %dma_start3A_422 = tpu.memref_squeeze %dma_start3A_421 : memref<1x128x128xf32, #tpu.memory_space<vmem>> -> memref<128x128xf32, #tpu.memory_space<vmem>>
      %dma_start3A_423 = arith.constant 0 : i32
      %dma_start3A_424 = arith.constant 0 : i32
      %dma_start3A_425 = tpu.memref_slice %arg4[%add3A, %add3A_417, %dma_start3A_423, %dma_start3A_424] : memref<32x200x128x128xf32, #tpu.memory_space<hbm>> -> memref<1x1x128x128xf32, #tpu.memory_space<hbm>>
      %dma_start3A_426 = tpu.memref_squeeze %dma_start3A_425 : memref<1x1x128x128xf32, #tpu.memory_space<hbm>> -> memref<128x128xf32, #tpu.memory_space<hbm>>
      %dma_start3A_427 = arith.constant 0 : i32
      %dma_start3A_428 = arith.constant 0 : i32
      %dma_start3A_429 = tpu.memref_slice %arg4[%add3A, %add3A_417, %dma_start3A_427, %dma_start3A_428] : memref<32x200x128x128xf32, #tpu.memory_space<hbm>> -> memref<1x1x128x128xf32, #tpu.memory_space<hbm>>
      %dma_start3A_430 = tpu.memref_squeeze %dma_start3A_429 : memref<1x1x128x128xf32, #tpu.memory_space<hbm>> -> memref<128x128xf32, #tpu.memory_space<hbm>>
      %dma_start3A_431 = arith.constant 0 : i32
      %dma_start3A_432 = arith.constant 0 : i32
      %dma_start3A_433 = tpu.memref_slice %arg6[%dma_start3A_418, %dma_start3A_431, %dma_start3A_432] : memref<5x128x128xf32, #tpu.memory_space<vmem>> -> memref<1x128x128xf32, #tpu.memory_space<vmem>>
      %dma_start3A_434 = tpu.memref_squeeze %dma_start3A_433 : memref<1x128x128xf32, #tpu.memory_space<vmem>> -> memref<128x128xf32, #tpu.memory_space<vmem>>
      tpu.enqueue_dma source(%dma_start3A_434 : memref<128x128xf32, #tpu.memory_space<vmem>>) target(%dma_start3A_430 : memref<128x128xf32, #tpu.memory_space<hbm>>) target_semaphore(%arg15 : memref<!tpu.dma_semaphore, #tpu.memory_space<semaphore_mem>>)
      %add3A_435 = arith.constant 4 : i32
      %add3A_436 = arith.addi %mul3A_306, %add3A_435 : i32
      %dma_wait3A_437 = arith.constant 4 : i32
      %dma_wait3A_438 = arith.constant 0 : i32
      %dma_wait3A_439 = arith.constant 0 : i32
      %dma_wait3A_440 = tpu.memref_slice %arg6[%dma_wait3A_437, %dma_wait3A_438, %dma_wait3A_439] : memref<5x128x128xf32, #tpu.memory_space<vmem>> -> memref<1x128x128xf32, #tpu.memory_space<vmem>>
      %dma_wait3A_441 = tpu.memref_squeeze %dma_wait3A_440 : memref<1x128x128xf32, #tpu.memory_space<vmem>> -> memref<128x128xf32, #tpu.memory_space<vmem>>
      %dma_wait3A_442 = arith.constant 0 : i32
      %dma_wait3A_443 = tpu.memref_slice %arg5[%add3A_436, %dma_wait3A_442] : memref<200x128xi32, #tpu.memory_space<vmem>> -> memref<1x128xi32, #tpu.memory_space<vmem>>
      %dma_wait3A_444 = tpu.memref_squeeze %dma_wait3A_443 : memref<1x128xi32, #tpu.memory_space<vmem>> -> memref<128xi32, #tpu.memory_space<vmem>>
      %dma_wait3A_445 = arith.constant 0 : i32
      %dma_wait3A_446 = arith.constant 0 : i32
      %dma_wait3A_447 = tpu.memref_slice %arg3[%dma_wait3A_445, %dma_wait3A_446] : memref<1000000x128xf32, #tpu.memory_space<hbm>> -> memref<1000000x128xf32, #tpu.memory_space<hbm>>
      tpu.wait_indirect_dma semaphore(%arg11 : memref<!tpu.dma_semaphore, #tpu.memory_space<semaphore_mem>>) src(%dma_wait3A_447 : memref<1000000x128xf32, #tpu.memory_space<hbm>>) dst(%dma_wait3A_441 : memref<128x128xf32, #tpu.memory_space<vmem>>)
      %add3A_448 = arith.constant 4 : i32
      %add3A_449 = arith.addi %mul3A_306, %add3A_448 : i32
      %dma_start3A_450 = arith.constant 4 : i32
      %dma_start3A_451 = arith.constant 0 : i32
      %dma_start3A_452 = arith.constant 0 : i32
      %dma_start3A_453 = tpu.memref_slice %arg6[%dma_start3A_450, %dma_start3A_451, %dma_start3A_452] : memref<5x128x128xf32, #tpu.memory_space<vmem>> -> memref<1x128x128xf32, #tpu.memory_space<vmem>>
      %dma_start3A_454 = tpu.memref_squeeze %dma_start3A_453 : memref<1x128x128xf32, #tpu.memory_space<vmem>> -> memref<128x128xf32, #tpu.memory_space<vmem>>
      %dma_start3A_455 = arith.constant 0 : i32
      %dma_start3A_456 = arith.constant 0 : i32
      %dma_start3A_457 = tpu.memref_slice %arg4[%add3A, %add3A_449, %dma_start3A_455, %dma_start3A_456] : memref<32x200x128x128xf32, #tpu.memory_space<hbm>> -> memref<1x1x128x128xf32, #tpu.memory_space<hbm>>
      %dma_start3A_458 = tpu.memref_squeeze %dma_start3A_457 : memref<1x1x128x128xf32, #tpu.memory_space<hbm>> -> memref<128x128xf32, #tpu.memory_space<hbm>>
      %dma_start3A_459 = arith.constant 0 : i32
      %dma_start3A_460 = arith.constant 0 : i32
      %dma_start3A_461 = tpu.memref_slice %arg4[%add3A, %add3A_449, %dma_start3A_459, %dma_start3A_460] : memref<32x200x128x128xf32, #tpu.memory_space<hbm>> -> memref<1x1x128x128xf32, #tpu.memory_space<hbm>>
      %dma_start3A_462 = tpu.memref_squeeze %dma_start3A_461 : memref<1x1x128x128xf32, #tpu.memory_space<hbm>> -> memref<128x128xf32, #tpu.memory_space<hbm>>
      %dma_start3A_463 = arith.constant 0 : i32
      %dma_start3A_464 = arith.constant 0 : i32
      %dma_start3A_465 = tpu.memref_slice %arg6[%dma_start3A_450, %dma_start3A_463, %dma_start3A_464] : memref<5x128x128xf32, #tpu.memory_space<vmem>> -> memref<1x128x128xf32, #tpu.memory_space<vmem>>
      %dma_start3A_466 = tpu.memref_squeeze %dma_start3A_465 : memref<1x128x128xf32, #tpu.memory_space<vmem>> -> memref<128x128xf32, #tpu.memory_space<vmem>>
      tpu.enqueue_dma source(%dma_start3A_466 : memref<128x128xf32, #tpu.memory_space<vmem>>) target(%dma_start3A_462 : memref<128x128xf32, #tpu.memory_space<hbm>>) target_semaphore(%arg16 : memref<!tpu.dma_semaphore, #tpu.memory_space<semaphore_mem>>)
      %add3A_467 = arith.constant 0 : i32
      %add3A_468 = arith.addi %mul3A_306, %add3A_467 : i32
      %dma_wait3A_469 = arith.constant 0 : i32
      %dma_wait3A_470 = arith.constant 0 : i32
      %dma_wait3A_471 = arith.constant 0 : i32
      %dma_wait3A_472 = tpu.memref_slice %arg6[%dma_wait3A_469, %dma_wait3A_470, %dma_wait3A_471] : memref<5x128x128xf32, #tpu.memory_space<vmem>> -> memref<1x128x128xf32, #tpu.memory_space<vmem>>
      %dma_wait3A_473 = tpu.memref_squeeze %dma_wait3A_472 : memref<1x128x128xf32, #tpu.memory_space<vmem>> -> memref<128x128xf32, #tpu.memory_space<vmem>>
      %dma_wait3A_474 = arith.constant 0 : i32
      %dma_wait3A_475 = arith.constant 0 : i32
      %dma_wait3A_476 = tpu.memref_slice %arg4[%add3A, %add3A_468, %dma_wait3A_474, %dma_wait3A_475] : memref<32x200x128x128xf32, #tpu.memory_space<hbm>> -> memref<1x1x128x128xf32, #tpu.memory_space<hbm>>
      %dma_wait3A_477 = tpu.memref_squeeze %dma_wait3A_476 : memref<1x1x128x128xf32, #tpu.memory_space<hbm>> -> memref<128x128xf32, #tpu.memory_space<hbm>>
      %dma_wait3A_478 = arith.constant 0 : i32
      %dma_wait3A_479 = arith.constant 0 : i32
      %dma_wait3A_480 = tpu.memref_slice %arg4[%add3A, %add3A_468, %dma_wait3A_478, %dma_wait3A_479] : memref<32x200x128x128xf32, #tpu.memory_space<hbm>> -> memref<1x1x128x128xf32, #tpu.memory_space<hbm>>
      %dma_wait3A_481 = tpu.memref_squeeze %dma_wait3A_480 : memref<1x1x128x128xf32, #tpu.memory_space<hbm>> -> memref<128x128xf32, #tpu.memory_space<hbm>>
      %dma_wait3A_482 = arith.constant 0 : i32
      %dma_wait3A_483 = arith.constant 0 : i32
      %dma_wait3A_484 = tpu.memref_slice %arg6[%dma_wait3A_469, %dma_wait3A_482, %dma_wait3A_483] : memref<5x128x128xf32, #tpu.memory_space<vmem>> -> memref<1x128x128xf32, #tpu.memory_space<vmem>>
      %dma_wait3A_485 = tpu.memref_squeeze %dma_wait3A_484 : memref<1x128x128xf32, #tpu.memory_space<vmem>> -> memref<128x128xf32, #tpu.memory_space<vmem>>
      tpu.wait_dma2 semaphore(%arg12 : memref<!tpu.dma_semaphore, #tpu.memory_space<semaphore_mem>>) src(%dma_wait3A_485 : memref<128x128xf32, #tpu.memory_space<vmem>>) dst(%dma_wait3A_481 : memref<128x128xf32, #tpu.memory_space<hbm>>)
      %add3A_486 = arith.constant 0 : i32
      %add3A_487 = arith.addi %mul3A_306, %add3A_486 : i32
      %add3A_488 = arith.constant 5 : i32
      %add3A_489 = arith.addi %add3A_487, %add3A_488 : i32
      %dma_start3A_490 = arith.constant 0 : i32
      %dma_start3A_491 = arith.constant 0 : i32
      %dma_start3A_492 = arith.constant 0 : i32
      %dma_start3A_493 = tpu.memref_slice %arg6[%dma_start3A_490, %dma_start3A_491, %dma_start3A_492] : memref<5x128x128xf32, #tpu.memory_space<vmem>> -> memref<1x128x128xf32, #tpu.memory_space<vmem>>
      %dma_start3A_494 = tpu.memref_squeeze %dma_start3A_493 : memref<1x128x128xf32, #tpu.memory_space<vmem>> -> memref<128x128xf32, #tpu.memory_space<vmem>>
      %dma_start3A_495 = arith.constant 0 : i32
      %dma_start3A_496 = tpu.memref_slice %arg5[%add3A_489, %dma_start3A_495] : memref<200x128xi32, #tpu.memory_space<vmem>> -> memref<1x128xi32, #tpu.memory_space<vmem>>
      %dma_start3A_497 = tpu.memref_squeeze %dma_start3A_496 : memref<1x128xi32, #tpu.memory_space<vmem>> -> memref<128xi32, #tpu.memory_space<vmem>>
      %dma_start3A_498 = arith.constant 0 : i32
      %dma_start3A_499 = arith.constant 0 : i32
      %dma_start3A_500 = tpu.memref_slice %arg3[%dma_start3A_498, %dma_start3A_499] : memref<1000000x128xf32, #tpu.memory_space<hbm>> -> memref<1000000x128xf32, #tpu.memory_space<hbm>>
      tpu.enqueue_indirect_dma source(%dma_start3A_500 : memref<1000000x128xf32, #tpu.memory_space<hbm>>) target(%dma_start3A_494 : memref<128x128xf32, #tpu.memory_space<vmem>>) offsets(%dma_start3A_497 : memref<128xi32, #tpu.memory_space<vmem>>) semaphore(%arg7 : memref<!tpu.dma_semaphore, #tpu.memory_space<semaphore_mem>>)
      %add3A_501 = arith.constant 1 : i32
      %add3A_502 = arith.addi %mul3A_306, %add3A_501 : i32
      %dma_wait3A_503 = arith.constant 1 : i32
      %dma_wait3A_504 = arith.constant 0 : i32
      %dma_wait3A_505 = arith.constant 0 : i32
      %dma_wait3A_506 = tpu.memref_slice %arg6[%dma_wait3A_503, %dma_wait3A_504, %dma_wait3A_505] : memref<5x128x128xf32, #tpu.memory_space<vmem>> -> memref<1x128x128xf32, #tpu.memory_space<vmem>>
      %dma_wait3A_507 = tpu.memref_squeeze %dma_wait3A_506 : memref<1x128x128xf32, #tpu.memory_space<vmem>> -> memref<128x128xf32, #tpu.memory_space<vmem>>
      %dma_wait3A_508 = arith.constant 0 : i32
      %dma_wait3A_509 = arith.constant 0 : i32
      %dma_wait3A_510 = tpu.memref_slice %arg4[%add3A, %add3A_502, %dma_wait3A_508, %dma_wait3A_509] : memref<32x200x128x128xf32, #tpu.memory_space<hbm>> -> memref<1x1x128x128xf32, #tpu.memory_space<hbm>>
      %dma_wait3A_511 = tpu.memref_squeeze %dma_wait3A_510 : memref<1x1x128x128xf32, #tpu.memory_space<hbm>> -> memref<128x128xf32, #tpu.memory_space<hbm>>
      %dma_wait3A_512 = arith.constant 0 : i32
      %dma_wait3A_513 = arith.constant 0 : i32
      %dma_wait3A_514 = tpu.memref_slice %arg4[%add3A, %add3A_502, %dma_wait3A_512, %dma_wait3A_513] : memref<32x200x128x128xf32, #tpu.memory_space<hbm>> -> memref<1x1x128x128xf32, #tpu.memory_space<hbm>>
      %dma_wait3A_515 = tpu.memref_squeeze %dma_wait3A_514 : memref<1x1x128x128xf32, #tpu.memory_space<hbm>> -> memref<128x128xf32, #tpu.memory_space<hbm>>
      %dma_wait3A_516 = arith.constant 0 : i32
      %dma_wait3A_517 = arith.constant 0 : i32
      %dma_wait3A_518 = tpu.memref_slice %arg6[%dma_wait3A_503, %dma_wait3A_516, %dma_wait3A_517] : memref<5x128x128xf32, #tpu.memory_space<vmem>> -> memref<1x128x128xf32, #tpu.memory_space<vmem>>
      %dma_wait3A_519 = tpu.memref_squeeze %dma_wait3A_518 : memref<1x128x128xf32, #tpu.memory_space<vmem>> -> memref<128x128xf32, #tpu.memory_space<vmem>>
      tpu.wait_dma2 semaphore(%arg13 : memref<!tpu.dma_semaphore, #tpu.memory_space<semaphore_mem>>) src(%dma_wait3A_519 : memref<128x128xf32, #tpu.memory_space<vmem>>) dst(%dma_wait3A_515 : memref<128x128xf32, #tpu.memory_space<hbm>>)
      %add3A_520 = arith.constant 1 : i32
      %add3A_521 = arith.addi %mul3A_306, %add3A_520 : i32
      %add3A_522 = arith.constant 5 : i32
      %add3A_523 = arith.addi %add3A_521, %add3A_522 : i32
      %dma_start3A_524 = arith.constant 1 : i32
      %dma_start3A_525 = arith.constant 0 : i32
      %dma_start3A_526 = arith.constant 0 : i32
      %dma_start3A_527 = tpu.memref_slice %arg6[%dma_start3A_524, %dma_start3A_525, %dma_start3A_526] : memref<5x128x128xf32, #tpu.memory_space<vmem>> -> memref<1x128x128xf32, #tpu.memory_space<vmem>>
      %dma_start3A_528 = tpu.memref_squeeze %dma_start3A_527 : memref<1x128x128xf32, #tpu.memory_space<vmem>> -> memref<128x128xf32, #tpu.memory_space<vmem>>
      %dma_start3A_529 = arith.constant 0 : i32
      %dma_start3A_530 = tpu.memref_slice %arg5[%add3A_523, %dma_start3A_529] : memref<200x128xi32, #tpu.memory_space<vmem>> -> memref<1x128xi32, #tpu.memory_space<vmem>>
      %dma_start3A_531 = tpu.memref_squeeze %dma_start3A_530 : memref<1x128xi32, #tpu.memory_space<vmem>> -> memref<128xi32, #tpu.memory_space<vmem>>
      %dma_start3A_532 = arith.constant 0 : i32
      %dma_start3A_533 = arith.constant 0 : i32
      %dma_start3A_534 = tpu.memref_slice %arg3[%dma_start3A_532, %dma_start3A_533] : memref<1000000x128xf32, #tpu.memory_space<hbm>> -> memref<1000000x128xf32, #tpu.memory_space<hbm>>
      tpu.enqueue_indirect_dma source(%dma_start3A_534 : memref<1000000x128xf32, #tpu.memory_space<hbm>>) target(%dma_start3A_528 : memref<128x128xf32, #tpu.memory_space<vmem>>) offsets(%dma_start3A_531 : memref<128xi32, #tpu.memory_space<vmem>>) semaphore(%arg8 : memref<!tpu.dma_semaphore, #tpu.memory_space<semaphore_mem>>)
      %add3A_535 = arith.constant 2 : i32
      %add3A_536 = arith.addi %mul3A_306, %add3A_535 : i32
      %dma_wait3A_537 = arith.constant 2 : i32
      %dma_wait3A_538 = arith.constant 0 : i32
      %dma_wait3A_539 = arith.constant 0 : i32
      %dma_wait3A_540 = tpu.memref_slice %arg6[%dma_wait3A_537, %dma_wait3A_538, %dma_wait3A_539] : memref<5x128x128xf32, #tpu.memory_space<vmem>> -> memref<1x128x128xf32, #tpu.memory_space<vmem>>
      %dma_wait3A_541 = tpu.memref_squeeze %dma_wait3A_540 : memref<1x128x128xf32, #tpu.memory_space<vmem>> -> memref<128x128xf32, #tpu.memory_space<vmem>>
      %dma_wait3A_542 = arith.constant 0 : i32
      %dma_wait3A_543 = arith.constant 0 : i32
      %dma_wait3A_544 = tpu.memref_slice %arg4[%add3A, %add3A_536, %dma_wait3A_542, %dma_wait3A_543] : memref<32x200x128x128xf32, #tpu.memory_space<hbm>> -> memref<1x1x128x128xf32, #tpu.memory_space<hbm>>
      %dma_wait3A_545 = tpu.memref_squeeze %dma_wait3A_544 : memref<1x1x128x128xf32, #tpu.memory_space<hbm>> -> memref<128x128xf32, #tpu.memory_space<hbm>>
      %dma_wait3A_546 = arith.constant 0 : i32
      %dma_wait3A_547 = arith.constant 0 : i32
      %dma_wait3A_548 = tpu.memref_slice %arg4[%add3A, %add3A_536, %dma_wait3A_546, %dma_wait3A_547] : memref<32x200x128x128xf32, #tpu.memory_space<hbm>> -> memref<1x1x128x128xf32, #tpu.memory_space<hbm>>
      %dma_wait3A_549 = tpu.memref_squeeze %dma_wait3A_548 : memref<1x1x128x128xf32, #tpu.memory_space<hbm>> -> memref<128x128xf32, #tpu.memory_space<hbm>>
      %dma_wait3A_550 = arith.constant 0 : i32
      %dma_wait3A_551 = arith.constant 0 : i32
      %dma_wait3A_552 = tpu.memref_slice %arg6[%dma_wait3A_537, %dma_wait3A_550, %dma_wait3A_551] : memref<5x128x128xf32, #tpu.memory_space<vmem>> -> memref<1x128x128xf32, #tpu.memory_space<vmem>>
      %dma_wait3A_553 = tpu.memref_squeeze %dma_wait3A_552 : memref<1x128x128xf32, #tpu.memory_space<vmem>> -> memref<128x128xf32, #tpu.memory_space<vmem>>
      tpu.wait_dma2 semaphore(%arg14 : memref<!tpu.dma_semaphore, #tpu.memory_space<semaphore_mem>>) src(%dma_wait3A_553 : memref<128x128xf32, #tpu.memory_space<vmem>>) dst(%dma_wait3A_549 : memref<128x128xf32, #tpu.memory_space<hbm>>)
      %add3A_554 = arith.constant 2 : i32
      %add3A_555 = arith.addi %mul3A_306, %add3A_554 : i32
      %add3A_556 = arith.constant 5 : i32
      %add3A_557 = arith.addi %add3A_555, %add3A_556 : i32
      %dma_start3A_558 = arith.constant 2 : i32
      %dma_start3A_559 = arith.constant 0 : i32
      %dma_start3A_560 = arith.constant 0 : i32
      %dma_start3A_561 = tpu.memref_slice %arg6[%dma_start3A_558, %dma_start3A_559, %dma_start3A_560] : memref<5x128x128xf32, #tpu.memory_space<vmem>> -> memref<1x128x128xf32, #tpu.memory_space<vmem>>
      %dma_start3A_562 = tpu.memref_squeeze %dma_start3A_561 : memref<1x128x128xf32, #tpu.memory_space<vmem>> -> memref<128x128xf32, #tpu.memory_space<vmem>>
      %dma_start3A_563 = arith.constant 0 : i32
      %dma_start3A_564 = tpu.memref_slice %arg5[%add3A_557, %dma_start3A_563] : memref<200x128xi32, #tpu.memory_space<vmem>> -> memref<1x128xi32, #tpu.memory_space<vmem>>
      %dma_start3A_565 = tpu.memref_squeeze %dma_start3A_564 : memref<1x128xi32, #tpu.memory_space<vmem>> -> memref<128xi32, #tpu.memory_space<vmem>>
      %dma_start3A_566 = arith.constant 0 : i32
      %dma_start3A_567 = arith.constant 0 : i32
      %dma_start3A_568 = tpu.memref_slice %arg3[%dma_start3A_566, %dma_start3A_567] : memref<1000000x128xf32, #tpu.memory_space<hbm>> -> memref<1000000x128xf32, #tpu.memory_space<hbm>>
      tpu.enqueue_indirect_dma source(%dma_start3A_568 : memref<1000000x128xf32, #tpu.memory_space<hbm>>) target(%dma_start3A_562 : memref<128x128xf32, #tpu.memory_space<vmem>>) offsets(%dma_start3A_565 : memref<128xi32, #tpu.memory_space<vmem>>) semaphore(%arg9 : memref<!tpu.dma_semaphore, #tpu.memory_space<semaphore_mem>>)
      %add3A_569 = arith.constant 3 : i32
      %add3A_570 = arith.addi %mul3A_306, %add3A_569 : i32
      %dma_wait3A_571 = arith.constant 3 : i32
      %dma_wait3A_572 = arith.constant 0 : i32
      %dma_wait3A_573 = arith.constant 0 : i32
      %dma_wait3A_574 = tpu.memref_slice %arg6[%dma_wait3A_571, %dma_wait3A_572, %dma_wait3A_573] : memref<5x128x128xf32, #tpu.memory_space<vmem>> -> memref<1x128x128xf32, #tpu.memory_space<vmem>>
      %dma_wait3A_575 = tpu.memref_squeeze %dma_wait3A_574 : memref<1x128x128xf32, #tpu.memory_space<vmem>> -> memref<128x128xf32, #tpu.memory_space<vmem>>
      %dma_wait3A_576 = arith.constant 0 : i32
      %dma_wait3A_577 = arith.constant 0 : i32
      %dma_wait3A_578 = tpu.memref_slice %arg4[%add3A, %add3A_570, %dma_wait3A_576, %dma_wait3A_577] : memref<32x200x128x128xf32, #tpu.memory_space<hbm>> -> memref<1x1x128x128xf32, #tpu.memory_space<hbm>>
      %dma_wait3A_579 = tpu.memref_squeeze %dma_wait3A_578 : memref<1x1x128x128xf32, #tpu.memory_space<hbm>> -> memref<128x128xf32, #tpu.memory_space<hbm>>
      %dma_wait3A_580 = arith.constant 0 : i32
      %dma_wait3A_581 = arith.constant 0 : i32
      %dma_wait3A_582 = tpu.memref_slice %arg4[%add3A, %add3A_570, %dma_wait3A_580, %dma_wait3A_581] : memref<32x200x128x128xf32, #tpu.memory_space<hbm>> -> memref<1x1x128x128xf32, #tpu.memory_space<hbm>>
      %dma_wait3A_583 = tpu.memref_squeeze %dma_wait3A_582 : memref<1x1x128x128xf32, #tpu.memory_space<hbm>> -> memref<128x128xf32, #tpu.memory_space<hbm>>
      %dma_wait3A_584 = arith.constant 0 : i32
      %dma_wait3A_585 = arith.constant 0 : i32
      %dma_wait3A_586 = tpu.memref_slice %arg6[%dma_wait3A_571, %dma_wait3A_584, %dma_wait3A_585] : memref<5x128x128xf32, #tpu.memory_space<vmem>> -> memref<1x128x128xf32, #tpu.memory_space<vmem>>
      %dma_wait3A_587 = tpu.memref_squeeze %dma_wait3A_586 : memref<1x128x128xf32, #tpu.memory_space<vmem>> -> memref<128x128xf32, #tpu.memory_space<vmem>>
      tpu.wait_dma2 semaphore(%arg15 : memref<!tpu.dma_semaphore, #tpu.memory_space<semaphore_mem>>) src(%dma_wait3A_587 : memref<128x128xf32, #tpu.memory_space<vmem>>) dst(%dma_wait3A_583 : memref<128x128xf32, #tpu.memory_space<hbm>>)
      %add3A_588 = arith.constant 3 : i32
      %add3A_589 = arith.addi %mul3A_306, %add3A_588 : i32
      %add3A_590 = arith.constant 5 : i32
      %add3A_591 = arith.addi %add3A_589, %add3A_590 : i32
      %dma_start3A_592 = arith.constant 3 : i32
      %dma_start3A_593 = arith.constant 0 : i32
      %dma_start3A_594 = arith.constant 0 : i32
      %dma_start3A_595 = tpu.memref_slice %arg6[%dma_start3A_592, %dma_start3A_593, %dma_start3A_594] : memref<5x128x128xf32, #tpu.memory_space<vmem>> -> memref<1x128x128xf32, #tpu.memory_space<vmem>>
      %dma_start3A_596 = tpu.memref_squeeze %dma_start3A_595 : memref<1x128x128xf32, #tpu.memory_space<vmem>> -> memref<128x128xf32, #tpu.memory_space<vmem>>
      %dma_start3A_597 = arith.constant 0 : i32
      %dma_start3A_598 = tpu.memref_slice %arg5[%add3A_591, %dma_start3A_597] : memref<200x128xi32, #tpu.memory_space<vmem>> -> memref<1x128xi32, #tpu.memory_space<vmem>>
      %dma_start3A_599 = tpu.memref_squeeze %dma_start3A_598 : memref<1x128xi32, #tpu.memory_space<vmem>> -> memref<128xi32, #tpu.memory_space<vmem>>
      %dma_start3A_600 = arith.constant 0 : i32
      %dma_start3A_601 = arith.constant 0 : i32
      %dma_start3A_602 = tpu.memref_slice %arg3[%dma_start3A_600, %dma_start3A_601] : memref<1000000x128xf32, #tpu.memory_space<hbm>> -> memref<1000000x128xf32, #tpu.memory_space<hbm>>
      tpu.enqueue_indirect_dma source(%dma_start3A_602 : memref<1000000x128xf32, #tpu.memory_space<hbm>>) target(%dma_start3A_596 : memref<128x128xf32, #tpu.memory_space<vmem>>) offsets(%dma_start3A_599 : memref<128xi32, #tpu.memory_space<vmem>>) semaphore(%arg10 : memref<!tpu.dma_semaphore, #tpu.memory_space<semaphore_mem>>)
      %add3A_603 = arith.constant 4 : i32
      %add3A_604 = arith.addi %mul3A_306, %add3A_603 : i32
      %dma_wait3A_605 = arith.constant 4 : i32
      %dma_wait3A_606 = arith.constant 0 : i32
      %dma_wait3A_607 = arith.constant 0 : i32
      %dma_wait3A_608 = tpu.memref_slice %arg6[%dma_wait3A_605, %dma_wait3A_606, %dma_wait3A_607] : memref<5x128x128xf32, #tpu.memory_space<vmem>> -> memref<1x128x128xf32, #tpu.memory_space<vmem>>
      %dma_wait3A_609 = tpu.memref_squeeze %dma_wait3A_608 : memref<1x128x128xf32, #tpu.memory_space<vmem>> -> memref<128x128xf32, #tpu.memory_space<vmem>>
      %dma_wait3A_610 = arith.constant 0 : i32
      %dma_wait3A_611 = arith.constant 0 : i32
      %dma_wait3A_612 = tpu.memref_slice %arg4[%add3A, %add3A_604, %dma_wait3A_610, %dma_wait3A_611] : memref<32x200x128x128xf32, #tpu.memory_space<hbm>> -> memref<1x1x128x128xf32, #tpu.memory_space<hbm>>
      %dma_wait3A_613 = tpu.memref_squeeze %dma_wait3A_612 : memref<1x1x128x128xf32, #tpu.memory_space<hbm>> -> memref<128x128xf32, #tpu.memory_space<hbm>>
      %dma_wait3A_614 = arith.constant 0 : i32
      %dma_wait3A_615 = arith.constant 0 : i32
      %dma_wait3A_616 = tpu.memref_slice %arg4[%add3A, %add3A_604, %dma_wait3A_614, %dma_wait3A_615] : memref<32x200x128x128xf32, #tpu.memory_space<hbm>> -> memref<1x1x128x128xf32, #tpu.memory_space<hbm>>
      %dma_wait3A_617 = tpu.memref_squeeze %dma_wait3A_616 : memref<1x1x128x128xf32, #tpu.memory_space<hbm>> -> memref<128x128xf32, #tpu.memory_space<hbm>>
      %dma_wait3A_618 = arith.constant 0 : i32
      %dma_wait3A_619 = arith.constant 0 : i32
      %dma_wait3A_620 = tpu.memref_slice %arg6[%dma_wait3A_605, %dma_wait3A_618, %dma_wait3A_619] : memref<5x128x128xf32, #tpu.memory_space<vmem>> -> memref<1x128x128xf32, #tpu.memory_space<vmem>>
      %dma_wait3A_621 = tpu.memref_squeeze %dma_wait3A_620 : memref<1x128x128xf32, #tpu.memory_space<vmem>> -> memref<128x128xf32, #tpu.memory_space<vmem>>
      tpu.wait_dma2 semaphore(%arg16 : memref<!tpu.dma_semaphore, #tpu.memory_space<semaphore_mem>>) src(%dma_wait3A_621 : memref<128x128xf32, #tpu.memory_space<vmem>>) dst(%dma_wait3A_617 : memref<128x128xf32, #tpu.memory_space<hbm>>)
      %add3A_622 = arith.constant 4 : i32
      %add3A_623 = arith.addi %mul3A_306, %add3A_622 : i32
      %add3A_624 = arith.constant 5 : i32
      %add3A_625 = arith.addi %add3A_623, %add3A_624 : i32
      %dma_start3A_626 = arith.constant 4 : i32
      %dma_start3A_627 = arith.constant 0 : i32
      %dma_start3A_628 = arith.constant 0 : i32
      %dma_start3A_629 = tpu.memref_slice %arg6[%dma_start3A_626, %dma_start3A_627, %dma_start3A_628] : memref<5x128x128xf32, #tpu.memory_space<vmem>> -> memref<1x128x128xf32, #tpu.memory_space<vmem>>
      %dma_start3A_630 = tpu.memref_squeeze %dma_start3A_629 : memref<1x128x128xf32, #tpu.memory_space<vmem>> -> memref<128x128xf32, #tpu.memory_space<vmem>>
      %dma_start3A_631 = arith.constant 0 : i32
      %dma_start3A_632 = tpu.memref_slice %arg5[%add3A_625, %dma_start3A_631] : memref<200x128xi32, #tpu.memory_space<vmem>> -> memref<1x128xi32, #tpu.memory_space<vmem>>
      %dma_start3A_633 = tpu.memref_squeeze %dma_start3A_632 : memref<1x128xi32, #tpu.memory_space<vmem>> -> memref<128xi32, #tpu.memory_space<vmem>>
      %dma_start3A_634 = arith.constant 0 : i32
      %dma_start3A_635 = arith.constant 0 : i32
      %dma_start3A_636 = tpu.memref_slice %arg3[%dma_start3A_634, %dma_start3A_635] : memref<1000000x128xf32, #tpu.memory_space<hbm>> -> memref<1000000x128xf32, #tpu.memory_space<hbm>>
      tpu.enqueue_indirect_dma source(%dma_start3A_636 : memref<1000000x128xf32, #tpu.memory_space<hbm>>) target(%dma_start3A_630 : memref<128x128xf32, #tpu.memory_space<vmem>>) offsets(%dma_start3A_633 : memref<128xi32, #tpu.memory_space<vmem>>) semaphore(%arg11 : memref<!tpu.dma_semaphore, #tpu.memory_space<semaphore_mem>>)
    }
    %scan3A_64 = arith.constant 39 : i32
    %dma_wait3A = arith.constant 195 : i32
    %dma_wait3A_65 = arith.constant 0 : i32
    %dma_wait3A_66 = arith.constant 0 : i32
    %dma_wait3A_67 = arith.constant 0 : i32
    %dma_wait3A_68 = tpu.memref_slice %arg6[%dma_wait3A_65, %dma_wait3A_66, %dma_wait3A_67] : memref<5x128x128xf32, #tpu.memory_space<vmem>> -> memref<1x128x128xf32, #tpu.memory_space<vmem>>
    %dma_wait3A_69 = tpu.memref_squeeze %dma_wait3A_68 : memref<1x128x128xf32, #tpu.memory_space<vmem>> -> memref<128x128xf32, #tpu.memory_space<vmem>>
    %dma_wait3A_70 = arith.constant 0 : i32
    %dma_wait3A_71 = tpu.memref_slice %arg5[%dma_wait3A, %dma_wait3A_70] : memref<200x128xi32, #tpu.memory_space<vmem>> -> memref<1x128xi32, #tpu.memory_space<vmem>>
    %dma_wait3A_72 = tpu.memref_squeeze %dma_wait3A_71 : memref<1x128xi32, #tpu.memory_space<vmem>> -> memref<128xi32, #tpu.memory_space<vmem>>
    %dma_wait3A_73 = arith.constant 0 : i32
    %dma_wait3A_74 = arith.constant 0 : i32
    %dma_wait3A_75 = tpu.memref_slice %arg3[%dma_wait3A_73, %dma_wait3A_74] : memref<1000000x128xf32, #tpu.memory_space<hbm>> -> memref<1000000x128xf32, #tpu.memory_space<hbm>>
    tpu.wait_indirect_dma semaphore(%arg7 : memref<!tpu.dma_semaphore, #tpu.memory_space<semaphore_mem>>) src(%dma_wait3A_75 : memref<1000000x128xf32, #tpu.memory_space<hbm>>) dst(%dma_wait3A_69 : memref<128x128xf32, #tpu.memory_space<vmem>>)
    %dma_start3A_76 = arith.constant 0 : i32
    %dma_start3A_77 = arith.constant 195 : i32
    %dma_start3A_78 = arith.constant 0 : i32
    %dma_start3A_79 = arith.constant 0 : i32
    %dma_start3A_80 = tpu.memref_slice %arg6[%dma_start3A_76, %dma_start3A_78, %dma_start3A_79] : memref<5x128x128xf32, #tpu.memory_space<vmem>> -> memref<1x128x128xf32, #tpu.memory_space<vmem>>
    %dma_start3A_81 = tpu.memref_squeeze %dma_start3A_80 : memref<1x128x128xf32, #tpu.memory_space<vmem>> -> memref<128x128xf32, #tpu.memory_space<vmem>>
    %dma_start3A_82 = arith.constant 0 : i32
    %dma_start3A_83 = arith.constant 0 : i32
    %dma_start3A_84 = tpu.memref_slice %arg4[%add3A, %dma_start3A_77, %dma_start3A_82, %dma_start3A_83] : memref<32x200x128x128xf32, #tpu.memory_space<hbm>> -> memref<1x1x128x128xf32, #tpu.memory_space<hbm>>
    %dma_start3A_85 = tpu.memref_squeeze %dma_start3A_84 : memref<1x1x128x128xf32, #tpu.memory_space<hbm>> -> memref<128x128xf32, #tpu.memory_space<hbm>>
    %dma_start3A_86 = arith.constant 0 : i32
    %dma_start3A_87 = arith.constant 0 : i32
    %dma_start3A_88 = tpu.memref_slice %arg4[%add3A, %dma_start3A_77, %dma_start3A_86, %dma_start3A_87] : memref<32x200x128x128xf32, #tpu.memory_space<hbm>> -> memref<1x1x128x128xf32, #tpu.memory_space<hbm>>
    %dma_start3A_89 = tpu.memref_squeeze %dma_start3A_88 : memref<1x1x128x128xf32, #tpu.memory_space<hbm>> -> memref<128x128xf32, #tpu.memory_space<hbm>>
    %dma_start3A_90 = arith.constant 0 : i32
    %dma_start3A_91 = arith.constant 0 : i32
    %dma_start3A_92 = tpu.memref_slice %arg6[%dma_start3A_76, %dma_start3A_90, %dma_start3A_91] : memref<5x128x128xf32, #tpu.memory_space<vmem>> -> memref<1x128x128xf32, #tpu.memory_space<vmem>>
    %dma_start3A_93 = tpu.memref_squeeze %dma_start3A_92 : memref<1x128x128xf32, #tpu.memory_space<vmem>> -> memref<128x128xf32, #tpu.memory_space<vmem>>
    tpu.enqueue_dma source(%dma_start3A_93 : memref<128x128xf32, #tpu.memory_space<vmem>>) target(%dma_start3A_89 : memref<128x128xf32, #tpu.memory_space<hbm>>) target_semaphore(%arg12 : memref<!tpu.dma_semaphore, #tpu.memory_space<semaphore_mem>>)
    %dma_wait3A_94 = arith.constant 196 : i32
    %dma_wait3A_95 = arith.constant 1 : i32
    %dma_wait3A_96 = arith.constant 0 : i32
    %dma_wait3A_97 = arith.constant 0 : i32
    %dma_wait3A_98 = tpu.memref_slice %arg6[%dma_wait3A_95, %dma_wait3A_96, %dma_wait3A_97] : memref<5x128x128xf32, #tpu.memory_space<vmem>> -> memref<1x128x128xf32, #tpu.memory_space<vmem>>
    %dma_wait3A_99 = tpu.memref_squeeze %dma_wait3A_98 : memref<1x128x128xf32, #tpu.memory_space<vmem>> -> memref<128x128xf32, #tpu.memory_space<vmem>>
    %dma_wait3A_100 = arith.constant 0 : i32
    %dma_wait3A_101 = tpu.memref_slice %arg5[%dma_wait3A_94, %dma_wait3A_100] : memref<200x128xi32, #tpu.memory_space<vmem>> -> memref<1x128xi32, #tpu.memory_space<vmem>>
    %dma_wait3A_102 = tpu.memref_squeeze %dma_wait3A_101 : memref<1x128xi32, #tpu.memory_space<vmem>> -> memref<128xi32, #tpu.memory_space<vmem>>
    %dma_wait3A_103 = arith.constant 0 : i32
    %dma_wait3A_104 = arith.constant 0 : i32
    %dma_wait3A_105 = tpu.memref_slice %arg3[%dma_wait3A_103, %dma_wait3A_104] : memref<1000000x128xf32, #tpu.memory_space<hbm>> -> memref<1000000x128xf32, #tpu.memory_space<hbm>>
    tpu.wait_indirect_dma semaphore(%arg8 : memref<!tpu.dma_semaphore, #tpu.memory_space<semaphore_mem>>) src(%dma_wait3A_105 : memref<1000000x128xf32, #tpu.memory_space<hbm>>) dst(%dma_wait3A_99 : memref<128x128xf32, #tpu.memory_space<vmem>>)
    %dma_start3A_106 = arith.constant 1 : i32
    %dma_start3A_107 = arith.constant 196 : i32
    %dma_start3A_108 = arith.constant 0 : i32
    %dma_start3A_109 = arith.constant 0 : i32
    %dma_start3A_110 = tpu.memref_slice %arg6[%dma_start3A_106, %dma_start3A_108, %dma_start3A_109] : memref<5x128x128xf32, #tpu.memory_space<vmem>> -> memref<1x128x128xf32, #tpu.memory_space<vmem>>
    %dma_start3A_111 = tpu.memref_squeeze %dma_start3A_110 : memref<1x128x128xf32, #tpu.memory_space<vmem>> -> memref<128x128xf32, #tpu.memory_space<vmem>>
    %dma_start3A_112 = arith.constant 0 : i32
    %dma_start3A_113 = arith.constant 0 : i32
    %dma_start3A_114 = tpu.memref_slice %arg4[%add3A, %dma_start3A_107, %dma_start3A_112, %dma_start3A_113] : memref<32x200x128x128xf32, #tpu.memory_space<hbm>> -> memref<1x1x128x128xf32, #tpu.memory_space<hbm>>
    %dma_start3A_115 = tpu.memref_squeeze %dma_start3A_114 : memref<1x1x128x128xf32, #tpu.memory_space<hbm>> -> memref<128x128xf32, #tpu.memory_space<hbm>>
    %dma_start3A_116 = arith.constant 0 : i32
    %dma_start3A_117 = arith.constant 0 : i32
    %dma_start3A_118 = tpu.memref_slice %arg4[%add3A, %dma_start3A_107, %dma_start3A_116, %dma_start3A_117] : memref<32x200x128x128xf32, #tpu.memory_space<hbm>> -> memref<1x1x128x128xf32, #tpu.memory_space<hbm>>
    %dma_start3A_119 = tpu.memref_squeeze %dma_start3A_118 : memref<1x1x128x128xf32, #tpu.memory_space<hbm>> -> memref<128x128xf32, #tpu.memory_space<hbm>>
    %dma_start3A_120 = arith.constant 0 : i32
    %dma_start3A_121 = arith.constant 0 : i32
    %dma_start3A_122 = tpu.memref_slice %arg6[%dma_start3A_106, %dma_start3A_120, %dma_start3A_121] : memref<5x128x128xf32, #tpu.memory_space<vmem>> -> memref<1x128x128xf32, #tpu.memory_space<vmem>>
    %dma_start3A_123 = tpu.memref_squeeze %dma_start3A_122 : memref<1x128x128xf32, #tpu.memory_space<vmem>> -> memref<128x128xf32, #tpu.memory_space<vmem>>
    tpu.enqueue_dma source(%dma_start3A_123 : memref<128x128xf32, #tpu.memory_space<vmem>>) target(%dma_start3A_119 : memref<128x128xf32, #tpu.memory_space<hbm>>) target_semaphore(%arg13 : memref<!tpu.dma_semaphore, #tpu.memory_space<semaphore_mem>>)
    %dma_wait3A_124 = arith.constant 197 : i32
    %dma_wait3A_125 = arith.constant 2 : i32
    %dma_wait3A_126 = arith.constant 0 : i32
    %dma_wait3A_127 = arith.constant 0 : i32
    %dma_wait3A_128 = tpu.memref_slice %arg6[%dma_wait3A_125, %dma_wait3A_126, %dma_wait3A_127] : memref<5x128x128xf32, #tpu.memory_space<vmem>> -> memref<1x128x128xf32, #tpu.memory_space<vmem>>
    %dma_wait3A_129 = tpu.memref_squeeze %dma_wait3A_128 : memref<1x128x128xf32, #tpu.memory_space<vmem>> -> memref<128x128xf32, #tpu.memory_space<vmem>>
    %dma_wait3A_130 = arith.constant 0 : i32
    %dma_wait3A_131 = tpu.memref_slice %arg5[%dma_wait3A_124, %dma_wait3A_130] : memref<200x128xi32, #tpu.memory_space<vmem>> -> memref<1x128xi32, #tpu.memory_space<vmem>>
    %dma_wait3A_132 = tpu.memref_squeeze %dma_wait3A_131 : memref<1x128xi32, #tpu.memory_space<vmem>> -> memref<128xi32, #tpu.memory_space<vmem>>
    %dma_wait3A_133 = arith.constant 0 : i32
    %dma_wait3A_134 = arith.constant 0 : i32
    %dma_wait3A_135 = tpu.memref_slice %arg3[%dma_wait3A_133, %dma_wait3A_134] : memref<1000000x128xf32, #tpu.memory_space<hbm>> -> memref<1000000x128xf32, #tpu.memory_space<hbm>>
    tpu.wait_indirect_dma semaphore(%arg9 : memref<!tpu.dma_semaphore, #tpu.memory_space<semaphore_mem>>) src(%dma_wait3A_135 : memref<1000000x128xf32, #tpu.memory_space<hbm>>) dst(%dma_wait3A_129 : memref<128x128xf32, #tpu.memory_space<vmem>>)
    %dma_start3A_136 = arith.constant 2 : i32
    %dma_start3A_137 = arith.constant 197 : i32
    %dma_start3A_138 = arith.constant 0 : i32
    %dma_start3A_139 = arith.constant 0 : i32
    %dma_start3A_140 = tpu.memref_slice %arg6[%dma_start3A_136, %dma_start3A_138, %dma_start3A_139] : memref<5x128x128xf32, #tpu.memory_space<vmem>> -> memref<1x128x128xf32, #tpu.memory_space<vmem>>
    %dma_start3A_141 = tpu.memref_squeeze %dma_start3A_140 : memref<1x128x128xf32, #tpu.memory_space<vmem>> -> memref<128x128xf32, #tpu.memory_space<vmem>>
    %dma_start3A_142 = arith.constant 0 : i32
    %dma_start3A_143 = arith.constant 0 : i32
    %dma_start3A_144 = tpu.memref_slice %arg4[%add3A, %dma_start3A_137, %dma_start3A_142, %dma_start3A_143] : memref<32x200x128x128xf32, #tpu.memory_space<hbm>> -> memref<1x1x128x128xf32, #tpu.memory_space<hbm>>
    %dma_start3A_145 = tpu.memref_squeeze %dma_start3A_144 : memref<1x1x128x128xf32, #tpu.memory_space<hbm>> -> memref<128x128xf32, #tpu.memory_space<hbm>>
    %dma_start3A_146 = arith.constant 0 : i32
    %dma_start3A_147 = arith.constant 0 : i32
    %dma_start3A_148 = tpu.memref_slice %arg4[%add3A, %dma_start3A_137, %dma_start3A_146, %dma_start3A_147] : memref<32x200x128x128xf32, #tpu.memory_space<hbm>> -> memref<1x1x128x128xf32, #tpu.memory_space<hbm>>
    %dma_start3A_149 = tpu.memref_squeeze %dma_start3A_148 : memref<1x1x128x128xf32, #tpu.memory_space<hbm>> -> memref<128x128xf32, #tpu.memory_space<hbm>>
    %dma_start3A_150 = arith.constant 0 : i32
    %dma_start3A_151 = arith.constant 0 : i32
    %dma_start3A_152 = tpu.memref_slice %arg6[%dma_start3A_136, %dma_start3A_150, %dma_start3A_151] : memref<5x128x128xf32, #tpu.memory_space<vmem>> -> memref<1x128x128xf32, #tpu.memory_space<vmem>>
    %dma_start3A_153 = tpu.memref_squeeze %dma_start3A_152 : memref<1x128x128xf32, #tpu.memory_space<vmem>> -> memref<128x128xf32, #tpu.memory_space<vmem>>
    tpu.enqueue_dma source(%dma_start3A_153 : memref<128x128xf32, #tpu.memory_space<vmem>>) target(%dma_start3A_149 : memref<128x128xf32, #tpu.memory_space<hbm>>) target_semaphore(%arg14 : memref<!tpu.dma_semaphore, #tpu.memory_space<semaphore_mem>>)
    %dma_wait3A_154 = arith.constant 198 : i32
    %dma_wait3A_155 = arith.constant 3 : i32
    %dma_wait3A_156 = arith.constant 0 : i32
    %dma_wait3A_157 = arith.constant 0 : i32
    %dma_wait3A_158 = tpu.memref_slice %arg6[%dma_wait3A_155, %dma_wait3A_156, %dma_wait3A_157] : memref<5x128x128xf32, #tpu.memory_space<vmem>> -> memref<1x128x128xf32, #tpu.memory_space<vmem>>
    %dma_wait3A_159 = tpu.memref_squeeze %dma_wait3A_158 : memref<1x128x128xf32, #tpu.memory_space<vmem>> -> memref<128x128xf32, #tpu.memory_space<vmem>>
    %dma_wait3A_160 = arith.constant 0 : i32
    %dma_wait3A_161 = tpu.memref_slice %arg5[%dma_wait3A_154, %dma_wait3A_160] : memref<200x128xi32, #tpu.memory_space<vmem>> -> memref<1x128xi32, #tpu.memory_space<vmem>>
    %dma_wait3A_162 = tpu.memref_squeeze %dma_wait3A_161 : memref<1x128xi32, #tpu.memory_space<vmem>> -> memref<128xi32, #tpu.memory_space<vmem>>
    %dma_wait3A_163 = arith.constant 0 : i32
    %dma_wait3A_164 = arith.constant 0 : i32
    %dma_wait3A_165 = tpu.memref_slice %arg3[%dma_wait3A_163, %dma_wait3A_164] : memref<1000000x128xf32, #tpu.memory_space<hbm>> -> memref<1000000x128xf32, #tpu.memory_space<hbm>>
    tpu.wait_indirect_dma semaphore(%arg10 : memref<!tpu.dma_semaphore, #tpu.memory_space<semaphore_mem>>) src(%dma_wait3A_165 : memref<1000000x128xf32, #tpu.memory_space<hbm>>) dst(%dma_wait3A_159 : memref<128x128xf32, #tpu.memory_space<vmem>>)
    %dma_start3A_166 = arith.constant 3 : i32
    %dma_start3A_167 = arith.constant 198 : i32
    %dma_start3A_168 = arith.constant 0 : i32
    %dma_start3A_169 = arith.constant 0 : i32
    %dma_start3A_170 = tpu.memref_slice %arg6[%dma_start3A_166, %dma_start3A_168, %dma_start3A_169] : memref<5x128x128xf32, #tpu.memory_space<vmem>> -> memref<1x128x128xf32, #tpu.memory_space<vmem>>
    %dma_start3A_171 = tpu.memref_squeeze %dma_start3A_170 : memref<1x128x128xf32, #tpu.memory_space<vmem>> -> memref<128x128xf32, #tpu.memory_space<vmem>>
    %dma_start3A_172 = arith.constant 0 : i32
    %dma_start3A_173 = arith.constant 0 : i32
    %dma_start3A_174 = tpu.memref_slice %arg4[%add3A, %dma_start3A_167, %dma_start3A_172, %dma_start3A_173] : memref<32x200x128x128xf32, #tpu.memory_space<hbm>> -> memref<1x1x128x128xf32, #tpu.memory_space<hbm>>
    %dma_start3A_175 = tpu.memref_squeeze %dma_start3A_174 : memref<1x1x128x128xf32, #tpu.memory_space<hbm>> -> memref<128x128xf32, #tpu.memory_space<hbm>>
    %dma_start3A_176 = arith.constant 0 : i32
    %dma_start3A_177 = arith.constant 0 : i32
    %dma_start3A_178 = tpu.memref_slice %arg4[%add3A, %dma_start3A_167, %dma_start3A_176, %dma_start3A_177] : memref<32x200x128x128xf32, #tpu.memory_space<hbm>> -> memref<1x1x128x128xf32, #tpu.memory_space<hbm>>
    %dma_start3A_179 = tpu.memref_squeeze %dma_start3A_178 : memref<1x1x128x128xf32, #tpu.memory_space<hbm>> -> memref<128x128xf32, #tpu.memory_space<hbm>>
    %dma_start3A_180 = arith.constant 0 : i32
    %dma_start3A_181 = arith.constant 0 : i32
    %dma_start3A_182 = tpu.memref_slice %arg6[%dma_start3A_166, %dma_start3A_180, %dma_start3A_181] : memref<5x128x128xf32, #tpu.memory_space<vmem>> -> memref<1x128x128xf32, #tpu.memory_space<vmem>>
    %dma_start3A_183 = tpu.memref_squeeze %dma_start3A_182 : memref<1x128x128xf32, #tpu.memory_space<vmem>> -> memref<128x128xf32, #tpu.memory_space<vmem>>
    tpu.enqueue_dma source(%dma_start3A_183 : memref<128x128xf32, #tpu.memory_space<vmem>>) target(%dma_start3A_179 : memref<128x128xf32, #tpu.memory_space<hbm>>) target_semaphore(%arg15 : memref<!tpu.dma_semaphore, #tpu.memory_space<semaphore_mem>>)
    %dma_wait3A_184 = arith.constant 199 : i32
    %dma_wait3A_185 = arith.constant 4 : i32
    %dma_wait3A_186 = arith.constant 0 : i32
    %dma_wait3A_187 = arith.constant 0 : i32
    %dma_wait3A_188 = tpu.memref_slice %arg6[%dma_wait3A_185, %dma_wait3A_186, %dma_wait3A_187] : memref<5x128x128xf32, #tpu.memory_space<vmem>> -> memref<1x128x128xf32, #tpu.memory_space<vmem>>
    %dma_wait3A_189 = tpu.memref_squeeze %dma_wait3A_188 : memref<1x128x128xf32, #tpu.memory_space<vmem>> -> memref<128x128xf32, #tpu.memory_space<vmem>>
    %dma_wait3A_190 = arith.constant 0 : i32
    %dma_wait3A_191 = tpu.memref_slice %arg5[%dma_wait3A_184, %dma_wait3A_190] : memref<200x128xi32, #tpu.memory_space<vmem>> -> memref<1x128xi32, #tpu.memory_space<vmem>>
    %dma_wait3A_192 = tpu.memref_squeeze %dma_wait3A_191 : memref<1x128xi32, #tpu.memory_space<vmem>> -> memref<128xi32, #tpu.memory_space<vmem>>
    %dma_wait3A_193 = arith.constant 0 : i32
    %dma_wait3A_194 = arith.constant 0 : i32
    %dma_wait3A_195 = tpu.memref_slice %arg3[%dma_wait3A_193, %dma_wait3A_194] : memref<1000000x128xf32, #tpu.memory_space<hbm>> -> memref<1000000x128xf32, #tpu.memory_space<hbm>>
    tpu.wait_indirect_dma semaphore(%arg11 : memref<!tpu.dma_semaphore, #tpu.memory_space<semaphore_mem>>) src(%dma_wait3A_195 : memref<1000000x128xf32, #tpu.memory_space<hbm>>) dst(%dma_wait3A_189 : memref<128x128xf32, #tpu.memory_space<vmem>>)
    %dma_start3A_196 = arith.constant 4 : i32
    %dma_start3A_197 = arith.constant 199 : i32
    %dma_start3A_198 = arith.constant 0 : i32
    %dma_start3A_199 = arith.constant 0 : i32
    %dma_start3A_200 = tpu.memref_slice %arg6[%dma_start3A_196, %dma_start3A_198, %dma_start3A_199] : memref<5x128x128xf32, #tpu.memory_space<vmem>> -> memref<1x128x128xf32, #tpu.memory_space<vmem>>
    %dma_start3A_201 = tpu.memref_squeeze %dma_start3A_200 : memref<1x128x128xf32, #tpu.memory_space<vmem>> -> memref<128x128xf32, #tpu.memory_space<vmem>>
    %dma_start3A_202 = arith.constant 0 : i32
    %dma_start3A_203 = arith.constant 0 : i32
    %dma_start3A_204 = tpu.memref_slice %arg4[%add3A, %dma_start3A_197, %dma_start3A_202, %dma_start3A_203] : memref<32x200x128x128xf32, #tpu.memory_space<hbm>> -> memref<1x1x128x128xf32, #tpu.memory_space<hbm>>
    %dma_start3A_205 = tpu.memref_squeeze %dma_start3A_204 : memref<1x1x128x128xf32, #tpu.memory_space<hbm>> -> memref<128x128xf32, #tpu.memory_space<hbm>>
    %dma_start3A_206 = arith.constant 0 : i32
    %dma_start3A_207 = arith.constant 0 : i32
    %dma_start3A_208 = tpu.memref_slice %arg4[%add3A, %dma_start3A_197, %dma_start3A_206, %dma_start3A_207] : memref<32x200x128x128xf32, #tpu.memory_space<hbm>> -> memref<1x1x128x128xf32, #tpu.memory_space<hbm>>
    %dma_start3A_209 = tpu.memref_squeeze %dma_start3A_208 : memref<1x1x128x128xf32, #tpu.memory_space<hbm>> -> memref<128x128xf32, #tpu.memory_space<hbm>>
    %dma_start3A_210 = arith.constant 0 : i32
    %dma_start3A_211 = arith.constant 0 : i32
    %dma_start3A_212 = tpu.memref_slice %arg6[%dma_start3A_196, %dma_start3A_210, %dma_start3A_211] : memref<5x128x128xf32, #tpu.memory_space<vmem>> -> memref<1x128x128xf32, #tpu.memory_space<vmem>>
    %dma_start3A_213 = tpu.memref_squeeze %dma_start3A_212 : memref<1x128x128xf32, #tpu.memory_space<vmem>> -> memref<128x128xf32, #tpu.memory_space<vmem>>
    tpu.enqueue_dma source(%dma_start3A_213 : memref<128x128xf32, #tpu.memory_space<vmem>>) target(%dma_start3A_209 : memref<128x128xf32, #tpu.memory_space<hbm>>) target_semaphore(%arg16 : memref<!tpu.dma_semaphore, #tpu.memory_space<semaphore_mem>>)
    %dma_wait3A_214 = arith.constant 0 : i32
    %dma_wait3A_215 = arith.constant 195 : i32
    %dma_wait3A_216 = arith.constant 0 : i32
    %dma_wait3A_217 = arith.constant 0 : i32
    %dma_wait3A_218 = tpu.memref_slice %arg6[%dma_wait3A_214, %dma_wait3A_216, %dma_wait3A_217] : memref<5x128x128xf32, #tpu.memory_space<vmem>> -> memref<1x128x128xf32, #tpu.memory_space<vmem>>
    %dma_wait3A_219 = tpu.memref_squeeze %dma_wait3A_218 : memref<1x128x128xf32, #tpu.memory_space<vmem>> -> memref<128x128xf32, #tpu.memory_space<vmem>>
    %dma_wait3A_220 = arith.constant 0 : i32
    %dma_wait3A_221 = arith.constant 0 : i32
    %dma_wait3A_222 = tpu.memref_slice %arg4[%add3A, %dma_wait3A_215, %dma_wait3A_220, %dma_wait3A_221] : memref<32x200x128x128xf32, #tpu.memory_space<hbm>> -> memref<1x1x128x128xf32, #tpu.memory_space<hbm>>
    %dma_wait3A_223 = tpu.memref_squeeze %dma_wait3A_222 : memref<1x1x128x128xf32, #tpu.memory_space<hbm>> -> memref<128x128xf32, #tpu.memory_space<hbm>>
    %dma_wait3A_224 = arith.constant 0 : i32
    %dma_wait3A_225 = arith.constant 0 : i32
    %dma_wait3A_226 = tpu.memref_slice %arg4[%add3A, %dma_wait3A_215, %dma_wait3A_224, %dma_wait3A_225] : memref<32x200x128x128xf32, #tpu.memory_space<hbm>> -> memref<1x1x128x128xf32, #tpu.memory_space<hbm>>
    %dma_wait3A_227 = tpu.memref_squeeze %dma_wait3A_226 : memref<1x1x128x128xf32, #tpu.memory_space<hbm>> -> memref<128x128xf32, #tpu.memory_space<hbm>>
    %dma_wait3A_228 = arith.constant 0 : i32
    %dma_wait3A_229 = arith.constant 0 : i32
    %dma_wait3A_230 = tpu.memref_slice %arg6[%dma_wait3A_214, %dma_wait3A_228, %dma_wait3A_229] : memref<5x128x128xf32, #tpu.memory_space<vmem>> -> memref<1x128x128xf32, #tpu.memory_space<vmem>>
    %dma_wait3A_231 = tpu.memref_squeeze %dma_wait3A_230 : memref<1x128x128xf32, #tpu.memory_space<vmem>> -> memref<128x128xf32, #tpu.memory_space<vmem>>
    tpu.wait_dma2 semaphore(%arg12 : memref<!tpu.dma_semaphore, #tpu.memory_space<semaphore_mem>>) src(%dma_wait3A_231 : memref<128x128xf32, #tpu.memory_space<vmem>>) dst(%dma_wait3A_227 : memref<128x128xf32, #tpu.memory_space<hbm>>)
    %dma_wait3A_232 = arith.constant 1 : i32
    %dma_wait3A_233 = arith.constant 196 : i32
    %dma_wait3A_234 = arith.constant 0 : i32
    %dma_wait3A_235 = arith.constant 0 : i32
    %dma_wait3A_236 = tpu.memref_slice %arg6[%dma_wait3A_232, %dma_wait3A_234, %dma_wait3A_235] : memref<5x128x128xf32, #tpu.memory_space<vmem>> -> memref<1x128x128xf32, #tpu.memory_space<vmem>>
    %dma_wait3A_237 = tpu.memref_squeeze %dma_wait3A_236 : memref<1x128x128xf32, #tpu.memory_space<vmem>> -> memref<128x128xf32, #tpu.memory_space<vmem>>
    %dma_wait3A_238 = arith.constant 0 : i32
    %dma_wait3A_239 = arith.constant 0 : i32
    %dma_wait3A_240 = tpu.memref_slice %arg4[%add3A, %dma_wait3A_233, %dma_wait3A_238, %dma_wait3A_239] : memref<32x200x128x128xf32, #tpu.memory_space<hbm>> -> memref<1x1x128x128xf32, #tpu.memory_space<hbm>>
    %dma_wait3A_241 = tpu.memref_squeeze %dma_wait3A_240 : memref<1x1x128x128xf32, #tpu.memory_space<hbm>> -> memref<128x128xf32, #tpu.memory_space<hbm>>
    %dma_wait3A_242 = arith.constant 0 : i32
    %dma_wait3A_243 = arith.constant 0 : i32
    %dma_wait3A_244 = tpu.memref_slice %arg4[%add3A, %dma_wait3A_233, %dma_wait3A_242, %dma_wait3A_243] : memref<32x200x128x128xf32, #tpu.memory_space<hbm>> -> memref<1x1x128x128xf32, #tpu.memory_space<hbm>>
    %dma_wait3A_245 = tpu.memref_squeeze %dma_wait3A_244 : memref<1x1x128x128xf32, #tpu.memory_space<hbm>> -> memref<128x128xf32, #tpu.memory_space<hbm>>
    %dma_wait3A_246 = arith.constant 0 : i32
    %dma_wait3A_247 = arith.constant 0 : i32
    %dma_wait3A_248 = tpu.memref_slice %arg6[%dma_wait3A_232, %dma_wait3A_246, %dma_wait3A_247] : memref<5x128x128xf32, #tpu.memory_space<vmem>> -> memref<1x128x128xf32, #tpu.memory_space<vmem>>
    %dma_wait3A_249 = tpu.memref_squeeze %dma_wait3A_248 : memref<1x128x128xf32, #tpu.memory_space<vmem>> -> memref<128x128xf32, #tpu.memory_space<vmem>>
    tpu.wait_dma2 semaphore(%arg13 : memref<!tpu.dma_semaphore, #tpu.memory_space<semaphore_mem>>) src(%dma_wait3A_249 : memref<128x128xf32, #tpu.memory_space<vmem>>) dst(%dma_wait3A_245 : memref<128x128xf32, #tpu.memory_space<hbm>>)
    %dma_wait3A_250 = arith.constant 2 : i32
    %dma_wait3A_251 = arith.constant 197 : i32
    %dma_wait3A_252 = arith.constant 0 : i32
    %dma_wait3A_253 = arith.constant 0 : i32
    %dma_wait3A_254 = tpu.memref_slice %arg6[%dma_wait3A_250, %dma_wait3A_252, %dma_wait3A_253] : memref<5x128x128xf32, #tpu.memory_space<vmem>> -> memref<1x128x128xf32, #tpu.memory_space<vmem>>
    %dma_wait3A_255 = tpu.memref_squeeze %dma_wait3A_254 : memref<1x128x128xf32, #tpu.memory_space<vmem>> -> memref<128x128xf32, #tpu.memory_space<vmem>>
    %dma_wait3A_256 = arith.constant 0 : i32
    %dma_wait3A_257 = arith.constant 0 : i32
    %dma_wait3A_258 = tpu.memref_slice %arg4[%add3A, %dma_wait3A_251, %dma_wait3A_256, %dma_wait3A_257] : memref<32x200x128x128xf32, #tpu.memory_space<hbm>> -> memref<1x1x128x128xf32, #tpu.memory_space<hbm>>
    %dma_wait3A_259 = tpu.memref_squeeze %dma_wait3A_258 : memref<1x1x128x128xf32, #tpu.memory_space<hbm>> -> memref<128x128xf32, #tpu.memory_space<hbm>>
    %dma_wait3A_260 = arith.constant 0 : i32
    %dma_wait3A_261 = arith.constant 0 : i32
    %dma_wait3A_262 = tpu.memref_slice %arg4[%add3A, %dma_wait3A_251, %dma_wait3A_260, %dma_wait3A_261] : memref<32x200x128x128xf32, #tpu.memory_space<hbm>> -> memref<1x1x128x128xf32, #tpu.memory_space<hbm>>
    %dma_wait3A_263 = tpu.memref_squeeze %dma_wait3A_262 : memref<1x1x128x128xf32, #tpu.memory_space<hbm>> -> memref<128x128xf32, #tpu.memory_space<hbm>>
    %dma_wait3A_264 = arith.constant 0 : i32
    %dma_wait3A_265 = arith.constant 0 : i32
    %dma_wait3A_266 = tpu.memref_slice %arg6[%dma_wait3A_250, %dma_wait3A_264, %dma_wait3A_265] : memref<5x128x128xf32, #tpu.memory_space<vmem>> -> memref<1x128x128xf32, #tpu.memory_space<vmem>>
    %dma_wait3A_267 = tpu.memref_squeeze %dma_wait3A_266 : memref<1x128x128xf32, #tpu.memory_space<vmem>> -> memref<128x128xf32, #tpu.memory_space<vmem>>
    tpu.wait_dma2 semaphore(%arg14 : memref<!tpu.dma_semaphore, #tpu.memory_space<semaphore_mem>>) src(%dma_wait3A_267 : memref<128x128xf32, #tpu.memory_space<vmem>>) dst(%dma_wait3A_263 : memref<128x128xf32, #tpu.memory_space<hbm>>)
    %dma_wait3A_268 = arith.constant 3 : i32
    %dma_wait3A_269 = arith.constant 198 : i32
    %dma_wait3A_270 = arith.constant 0 : i32
    %dma_wait3A_271 = arith.constant 0 : i32
    %dma_wait3A_272 = tpu.memref_slice %arg6[%dma_wait3A_268, %dma_wait3A_270, %dma_wait3A_271] : memref<5x128x128xf32, #tpu.memory_space<vmem>> -> memref<1x128x128xf32, #tpu.memory_space<vmem>>
    %dma_wait3A_273 = tpu.memref_squeeze %dma_wait3A_272 : memref<1x128x128xf32, #tpu.memory_space<vmem>> -> memref<128x128xf32, #tpu.memory_space<vmem>>
    %dma_wait3A_274 = arith.constant 0 : i32
    %dma_wait3A_275 = arith.constant 0 : i32
    %dma_wait3A_276 = tpu.memref_slice %arg4[%add3A, %dma_wait3A_269, %dma_wait3A_274, %dma_wait3A_275] : memref<32x200x128x128xf32, #tpu.memory_space<hbm>> -> memref<1x1x128x128xf32, #tpu.memory_space<hbm>>
    %dma_wait3A_277 = tpu.memref_squeeze %dma_wait3A_276 : memref<1x1x128x128xf32, #tpu.memory_space<hbm>> -> memref<128x128xf32, #tpu.memory_space<hbm>>
    %dma_wait3A_278 = arith.constant 0 : i32
    %dma_wait3A_279 = arith.constant 0 : i32
    %dma_wait3A_280 = tpu.memref_slice %arg4[%add3A, %dma_wait3A_269, %dma_wait3A_278, %dma_wait3A_279] : memref<32x200x128x128xf32, #tpu.memory_space<hbm>> -> memref<1x1x128x128xf32, #tpu.memory_space<hbm>>
    %dma_wait3A_281 = tpu.memref_squeeze %dma_wait3A_280 : memref<1x1x128x128xf32, #tpu.memory_space<hbm>> -> memref<128x128xf32, #tpu.memory_space<hbm>>
    %dma_wait3A_282 = arith.constant 0 : i32
    %dma_wait3A_283 = arith.constant 0 : i32
    %dma_wait3A_284 = tpu.memref_slice %arg6[%dma_wait3A_268, %dma_wait3A_282, %dma_wait3A_283] : memref<5x128x128xf32, #tpu.memory_space<vmem>> -> memref<1x128x128xf32, #tpu.memory_space<vmem>>
    %dma_wait3A_285 = tpu.memref_squeeze %dma_wait3A_284 : memref<1x128x128xf32, #tpu.memory_space<vmem>> -> memref<128x128xf32, #tpu.memory_space<vmem>>
    tpu.wait_dma2 semaphore(%arg15 : memref<!tpu.dma_semaphore, #tpu.memory_space<semaphore_mem>>) src(%dma_wait3A_285 : memref<128x128xf32, #tpu.memory_space<vmem>>) dst(%dma_wait3A_281 : memref<128x128xf32, #tpu.memory_space<hbm>>)
    %dma_wait3A_286 = arith.constant 4 : i32
    %dma_wait3A_287 = arith.constant 199 : i32
    %dma_wait3A_288 = arith.constant 0 : i32
    %dma_wait3A_289 = arith.constant 0 : i32
    %dma_wait3A_290 = tpu.memref_slice %arg6[%dma_wait3A_286, %dma_wait3A_288, %dma_wait3A_289] : memref<5x128x128xf32, #tpu.memory_space<vmem>> -> memref<1x128x128xf32, #tpu.memory_space<vmem>>
    %dma_wait3A_291 = tpu.memref_squeeze %dma_wait3A_290 : memref<1x128x128xf32, #tpu.memory_space<vmem>> -> memref<128x128xf32, #tpu.memory_space<vmem>>
    %dma_wait3A_292 = arith.constant 0 : i32
    %dma_wait3A_293 = arith.constant 0 : i32
    %dma_wait3A_294 = tpu.memref_slice %arg4[%add3A, %dma_wait3A_287, %dma_wait3A_292, %dma_wait3A_293] : memref<32x200x128x128xf32, #tpu.memory_space<hbm>> -> memref<1x1x128x128xf32, #tpu.memory_space<hbm>>
    %dma_wait3A_295 = tpu.memref_squeeze %dma_wait3A_294 : memref<1x1x128x128xf32, #tpu.memory_space<hbm>> -> memref<128x128xf32, #tpu.memory_space<hbm>>
    %dma_wait3A_296 = arith.constant 0 : i32
    %dma_wait3A_297 = arith.constant 0 : i32
    %dma_wait3A_298 = tpu.memref_slice %arg4[%add3A, %dma_wait3A_287, %dma_wait3A_296, %dma_wait3A_297] : memref<32x200x128x128xf32, #tpu.memory_space<hbm>> -> memref<1x1x128x128xf32, #tpu.memory_space<hbm>>
    %dma_wait3A_299 = tpu.memref_squeeze %dma_wait3A_298 : memref<1x1x128x128xf32, #tpu.memory_space<hbm>> -> memref<128x128xf32, #tpu.memory_space<hbm>>
    %dma_wait3A_300 = arith.constant 0 : i32
    %dma_wait3A_301 = arith.constant 0 : i32
    %dma_wait3A_302 = tpu.memref_slice %arg6[%dma_wait3A_286, %dma_wait3A_300, %dma_wait3A_301] : memref<5x128x128xf32, #tpu.memory_space<vmem>> -> memref<1x128x128xf32, #tpu.memory_space<vmem>>
    %dma_wait3A_303 = tpu.memref_squeeze %dma_wait3A_302 : memref<1x128x128xf32, #tpu.memory_space<vmem>> -> memref<128x128xf32, #tpu.memory_space<vmem>>
    tpu.wait_dma2 semaphore(%arg16 : memref<!tpu.dma_semaphore, #tpu.memory_space<semaphore_mem>>) src(%dma_wait3A_303 : memref<128x128xf32, #tpu.memory_space<vmem>>) dst(%dma_wait3A_299 : memref<128x128xf32, #tpu.memory_space<hbm>>)
    return
  }
}

</mosaic_0001>

<sc_bundles>
// kernel: kernel.3.cloned.1.call-start
scs
__scs_entry_jumppad:
0x0: {  	(pc) =	sbr.rel $0x88, $3  }
0x1: {  	(tag) =	ssettag $0x0;
	lr =	simm.s32 $0x1  }
0x2: {  	[smem:$0x3F9F] =	sst lr;
	_ =	strace $0xD0000000  }
0x3: {  	_ = 	snop  }
0x4: {  	_ = 	snop  }
0x5: {  	_ = 	snop  }
0x6: {  	_ = 	snop  }
0x7: {  	_ = 	snop  }
__scs_overlays_trampoline_lowered:
0x8: {  	[smem:$0x3FAE] =	sst s0  }
0x9: {  	[smem:$0x3FAF] =	sst s1  }
0xa: {  	[smem:$0x3FB0] =	sst s2  }
0xb: {  	[smem:$0x3FB1] =	sst s3  }
0xc: {  	[smem:$0x3FB2] =	sst s4  }
0xd: {  	[smem:$0x3FB3] =	sst s5  }
0xe: {  	[smem:$0x3FB4] =	sst s6  }
0xf: {  	[smem:$0x3FB5] =	sst s7  }
0x10: {  	[smem:$0x3FB6] =	sst s8  }
0x11: {  	[smem:$0x3FB7] =	sst s9;
	s0 =	simm.s32 @!p0 $0x0  }
0x12: {  	s1 =	sld [smem:$0x3F9D];
	s0 =	simm.s32 @p0 $0x1  }
0x13: {  	[smem:$0x3FB8] =	sst s0;
	s0 =	simm.s32 @!p1 $0x0  }
0x14: {  	s2 =	sld [smem:$0x3F9C];
	s0 =	simm.s32 @p1 $0x1  }
0x15: {  	[smem:$0x3FB9] =	sst s0;
	s0 =	simm.s32 @!p2 $0x0  }
0x16: {  	s3 =	sld [smem:$0x3FDB];
	s0 =	simm.s32 @p2 $0x1  }
0x17: {  	s4 =	simm.s32 $0x1BF5;
	[smem:$0x3FBB] =	sst s0  }
0x18: {  	s0 =	sld [smem:$0x3F9E];
	_ =	swait.ge [sflag:s4], $0x0  }
0x19: {  	s7 =	sld [smem:$0x3F9F]  }
0x1a: {  	s8 =	sadd.s32 $0xFFFFE003, lr  }
0x1b: {  	s9 =	sadd.s32 $0xFFFFFEF7, lr;
	s5 =	simm.s32 $0xFFFFFFFF;
	p2 =	slt.u32 s8, $0xFFFFF086  }
0x1c: {  	p1 =	slt.u32 s9, $0xF7A;
	s5 =	simm.s32 @!p2 $0x0  }
0x1d: {  	s5 =	simm.s32 @p1 $0x1;
	p0 =	seq.s32 s7, s2  }
0x1e: {  	s7 =	smul.u32 @!p0 $0xF7A, s2;
	p2 =	seq.s32 @!p0 s5, $0x0  }
0x1f: {  	s9 =	smul.u32 $0xF7A, s1;
	s8 =	simm.s32 @!p0 $0x1BF5;
	p2 =	por !p2, p0  }
0x20: {  	[sflag:s8] =	ssyncset.s32 @!p0 $0xFFFFF086;
	s6 =	sadd.s32 @!p0 s3, s7;
	s7 =	simm.s32 @!p0 $0x108  }
0x21: {  	s3 =	sadd.s32 s3, s9;
	s6 =	sadd.s32 @!p0 $0x88, s6;
	s7 =	simm.s32 @p2 $0x1082  }
0x22: {  	[simem:s7], [sflag:s8] =	dma.local @!p0 [hbm:s6], $0xF7A  }
0x23: {  	s9 =	sor.u32 $0xD0000000, s2;
	s6 =	simm.s32 $0x108;
	_ =	swait.ge @!p0 [sflag:s8], $0x0  }
0x24: {  	s3 =	sadd.s32 $0x88, s3;
	s6 =	simm.s32 @!p1 $0x1082;
	[sflag:s4] =	ssyncset.s32 $0xFFFFF086  }
0x25: {  	[simem:s6], [sflag:s4] =	dma.local [hbm:s3], $0xF7A  }
0x26: {  	[smem:$0x3F9F] =	sst s1;
	(tag) =	ssettag s2;
	_ =	strace s9  }
0x27: {  	s1 =	sld [smem:$0x3FAF]  }
0x28: {  	s2 =	sld [smem:$0x3FB0]  }
0x29: {  	s4 =	sld [smem:$0x3FB2]  }
0x2a: {  	p0 =	seq.s32 s5, $0x0;
	s5 =	sld [smem:$0x3FB3]  }
0x2b: {  	s6 =	sld [smem:$0x3FB4]  }
0x2c: {  	s7 =	sld [smem:$0x3FB5]  }
0x2d: {  	s3 =	simm.s32 $0x108;
	s8 =	sld [smem:$0x3FB6]  }
0x2e: {  	s3 =	simm.s32 @!p0 $0x1082;
	s9 =	sld [smem:$0x3FB7]  }
0x2f: {  	lr =	sadd.s32 s0, s3;
	s0 =	sld [smem:$0x3FAE]  }
0x30: {  	s3 =	sld [smem:$0x3FB1]  }
0x31: {  	[smem:$0x3FBA] =	sst s10  }
0x32: {  	s10 =	sld [smem:$0x3FB8];
	_ =	sdelay $0x3  }
0x33: {  	p0 =	seq.s32 s10, $0x1;
	s10 =	sld [smem:$0x3FBA];
	_ =	sdelay $0x3  }
0x34: {  	[smem:$0x3FBA] =	sst s10  }
0x35: {  	s10 =	sld [smem:$0x3FB9];
	_ =	sdelay $0x3  }
0x36: {  	p1 =	seq.s32 s10, $0x1;
	s10 =	sld [smem:$0x3FBA];
	_ =	sdelay $0x3  }
0x37: {  	[smem:$0x3FBA] =	sst s10  }
0x38: {  	s10 =	sld [smem:$0x3FBB]  }
0x39: {  	_ = 	snop;
	(pc) =	sbr.ind lr, $3  }
0x3a: {  	_ = 	snop  }
0x3b: {  	_ = 	snop  }
0x3c: {  	p2 =	seq.s32 s10, $0x1;
	s10 =	sld [smem:$0x3FBA]  }
0x3d: {  	_ =	shalt  }
0x3e: {  	_ =	shalt  }
0x3f: {  	_ =	shalt  }
0x40: {  	_ =	shalt  }
0x41: {  	_ =	shalt  }
0x42: {  	_ =	shalt  }
0x43: {  	_ =	shalt  }
0x44: {  	_ =	shalt  }
0x45: {  	_ =	shalt  }
0x46: {  	_ =	shalt  }
0x47: {  	_ =	shalt  }
0x48: {  	_ =	shalt  }
0x49: {  	_ =	shalt  }
0x4a: {  	_ =	shalt  }
0x4b: {  	_ =	shalt  }
0x4c: {  	_ =	shalt  }
0x4d: {  	_ =	shalt  }
0x4e: {  	_ =	shalt  }
0x4f: {  	_ =	shalt  }
0x50: {  	_ =	shalt  }
0x51: {  	_ =	shalt  }
0x52: {  	_ =	shalt  }
0x53: {  	_ =	shalt  }
0x54: {  	_ =	shalt  }
0x55: {  	_ =	shalt  }
0x56: {  	_ =	shalt  }
0x57: {  	_ =	shalt  }
0x58: {  	_ =	shalt  }
0x59: {  	_ =	shalt  }
0x5a: {  	_ =	shalt  }
0x5b: {  	_ =	shalt  }
0x5c: {  	_ =	shalt  }
0x5d: {  	_ =	shalt  }
0x5e: {  	_ =	shalt  }
0x5f: {  	_ =	shalt  }
0x60: {  	_ =	shalt  }
0x61: {  	_ =	shalt  }
0x62: {  	_ =	shalt  }
0x63: {  	_ =	shalt  }
0x64: {  	_ =	shalt  }
0x65: {  	_ =	shalt  }
0x66: {  	_ =	shalt  }
0x67: {  	_ =	shalt  }
0x68: {  	_ =	shalt  }
0x69: {  	_ =	shalt  }
0x6a: {  	_ =	shalt  }
0x6b: {  	_ =	shalt  }
0x6c: {  	_ =	shalt  }
0x6d: {  	_ =	shalt  }
0x6e: {  	_ =	shalt  }
0x6f: {  	_ =	shalt  }
0x70: {  	_ =	shalt  }
0x71: {  	_ =	shalt  }
0x72: {  	_ =	shalt  }
0x73: {  	_ =	shalt  }
0x74: {  	_ =	shalt  }
0x75: {  	_ =	shalt  }
0x76: {  	_ =	shalt  }
0x77: {  	_ =	shalt  }
0x78: {  	_ =	shalt  }
0x79: {  	_ =	shalt  }
0x7a: {  	_ =	shalt  }
0x7b: {  	_ =	shalt  }
0x7c: {  	_ =	shalt  }
0x7d: {  	_ =	shalt  }
0x7e: {  	_ =	shalt  }
0x7f: {  	_ =	shalt  }
0x80: {  	_ =	shalt  }
0x81: {  	_ =	shalt  }
0x82: {  	_ =	shalt  }
0x83: {  	_ =	shalt  }
0x84: {  	_ =	shalt  }
0x85: {  	_ =	shalt  }
0x86: {  	_ =	shalt  }
0x87: {  	_ =	shalt  }
.Lfunc_end0:
.L_simem_size_0:
called_computation.1_lowered:
.L_overlay_start_0:
0x88: {  	s2 =	sld [smem:$0x3FD9]  }
0x89: {  	s3 =	sld [smem:$0x3FFE];
	_ =	sdelay $0x1  }
0x8a: {  	s1 =	srdreg.scid  }
0x8b: {  	s0 =	sand.u32 $0x1, s1  }
0x8c: {  	s17 =	sshll.u32 s0, $0xA;
	s2 =	sadd.s32 s3, s2  }
0x8d: {  	s2 =	sadd.s32 s2, s17  }
0x8e: {  	[smem:$0x3FC6] =	sst s2  }
0x8f: {  	_ = 	snop  }
0x90: {  	s2 =	sld [smem:$0x3FD0];
	(tm) =	ssettm $0x1  }
0x91: {  	s18 =	sld [smem:$0x3FFB];
	_ =	sdelay $0x3  }
0x92: {  	_ =	strace s18  }
0x93: {  	s3 =	sld [smem:$0x3FFC];
	_ =	sdelay $0x3  }
0x94: {  	_ =	strace s3  }
0x95: {  	s3 =	sld [smem:$0x3FFD];
	_ =	sdelay $0x3  }
0x96: {  	_ =	strace s3  }
0x97: {  	_ =	strace $0x8FFFFFFF  }
0x98: {  	s19 =	sld [smem:$0x3FDB];
	_ =	sdelay $0x1  }
0x99: {  	s4 =	simm.s32 $_scs_section_size  }
0x9a: {  	s5 =	simm.s32 $_size__tile_overlayer_lowered;
	s6 =	simm.s32 $_tile_overlayer_lowered  }
0x9b: {  	s22 =	simm.s32 $0x1BFF;
	s21 =	sshll.u32 s6, $0x1;
	s3 =	sadd.s32 s4, s19  }
0x9c: {  	s7 =	simm.s32 $0x0;
	s20 =	sshll.u32 s5, $0x1;
	s5 =	sadd.s32 s21, s3  }
0x9d: {  	[timem:s7], [sflag:s22] =	dma.local [hbm:s5], s20  }
0x9e: {  	_ =	swait.ge [sflag:s22], s20  }
0x9f: {  	s4 =	ssub.s32 $0x0, s20;
	[sflag:s22] =	ssyncset.done $0x0  }
0xa0: {  	[sflag:s22] =	ssyncadd.s32 s4;
	_ =	sdelay $0x1  }
0xa1: {  	s23 =	simm.s32 $0x1B8B  }
0xa2: {  	_ =	swait.ge [sflag:s23], $0x1  }
0xa3: {  	[sflag:s23] =	ssyncset.done $0x0  }
0xa4: {  	s25 =	simm.s32 $0x1B8E;
	s24 =	sld [smem:$0x3FFE];
	[sflag:s23] =	ssyncadd.s32 $0xFFFFFFFF  }
0xa5: {  	s26 =	simm.s32 $execute0_lowered;
	[smem:$0x3FD2] =	sst s25  }
0xa6: {  	s5 =	sshll.u32 s26, $0x1;
	_ =	strace $0x80000046;
	[dreg:$0x1] =	wrdreg $0xFFFFFFFF  }
0xa7: {  	s28 =	simm.s32 $_size_execute0_lowered;
	s3 =	sadd.s32 s3, s5;
	[dreg:$0x0] =	wrdreg $0x0  }
0xa8: {  	s5 =	sshll.u32 s28, $0x1;
	[dreg:$0x2] =	wrdreg s3  }
0xa9: {  	[dreg:$0x3] =	wrdreg s5  }
0xaa: {  	[dreg:$0x4] =	wrdreg $0xC0  }
0xab: {  	_ =	task [dreg:s7], $0x5FFFF  }
0xac: {  	[dreg:$0x1] =	wrdreg $0xFFFFFFFF  }
0xad: {  	[dreg:$0x0] =	wrdreg $0x60  }
0xae: {  	[dreg:$0x2] =	wrdreg s2  }
0xaf: {  	[dreg:$0x3] =	wrdreg s24  }
0xb0: {  	[dreg:$0x4] =	wrdreg $0x9  }
0xb1: {  	_ =	task.clear_ibuf [dreg:s7], $0x5FFFF;
	_ =	strace $0x90000046  }
0xb2: {  	s29 =	simm.s32 $0x9;
	_ =	strace $0x80000048  }
0xb3: {  	_ =	swait.ge [sflag:s29], $0x1  }
0xb4: {  	[sflag:s29] =	ssyncadd.s32 $0xFFFFFFFF  }
0xb5: {  	_ =	strace $0x90000048  }
0xb6: {  	_ =	sfence  }
0xb7: {  	s30 =	sld [smem:$0x0];
	_ =	sdelay $0x2  }
0xb8: {  	s31 =	sshll.u32 s1, $0xD;
	s1 =	sshrl.u32 s1, $0x2  }
0xb9: {  	s3 =	sand.u32 $0x4000, s31;
	s1 =	sadd.s32 s1, s30  }
0xba: {  	s0 =	sor.u32 s3, s0;
	s1 =	sshll.u32 s1, $0x11  }
0xbb: {  	s0 =	sor.u32 s1, s0  }
0xbc: {  	s0 =	sadd.s32 $0x8F2B, s0  }
0xbd: {  	[sflag:s0] =	ssyncadd.remote.s32 $0x1  }
0xbe: {  	_ =	sfence.sel $0xFFFF  }
0xbf: {  	[dreg:$0x0] =	wrdreg $0xFFFFFFFF;
	(pc) =	sbr.abs _section_cstart, $3  }
0xc0: {  	[dreg:$0x1] =	wrdreg $0xFFFFFFFF  }
0xc1: {  	_ =	task.clear_ibuf [dreg:s7], $0x2FFFF;
	_ =	strace $0x9FFFFFFF  }
0xc2: {  	(tm) =	ssettm $0x7FFFFFFF  }
0xc3: {  	_ =	shalt  }
tec
execute0_lowered:
.L_overlay_start_1:
0x0: {  	(tag) =	ssettag $0x1  }
0x1: {  	s0 =	rddreg [dreg:$0x0]  }
0x2: {  	s1 =	rddreg [dreg:$0x1]  }
0x3: {  	s3 =	srdreg.scid;
	s8 =	stileid.u32;
	s2 =	simm.s32 $0x0  }
0x4: {  	s28 =	simm.s32 $0x2;
	s29 =	simm.s32 $0x3;
	s30 =	simm.s32 $0x4  }
0x5: {  	s4 =	sand.u32 $0x1, s3;
	s15 =	sshll.u32 s8, $0x1;
	s8 =	smul.u32 $0x640000, s8  }
0x6: {  	s5 =	sor.u32 s4, s15;
	s7 =	ssub.s32 $0x2, s4;
	s4 =	smul.u32 $0x320000, s4  }
0x7: {  	s31 =	simm.s32 $0x5;
	[smem:$0x7FF] =	sst s2;
	s6 =	smul.u32 $0xC80, s5  }
0x8: {  	s3 =	sadd.s32 $0xF42E00, s1;
	s5 =	smul.u32 $0x320000, s5;
	s9 =	sshrl.u32 s7, $0x1  }
0x9: {  	s1 =	sadd.s32 $0xA00, s1;
	_ =	strace $0x80000047;
	s7 =	ssub.s32 s7, s9  }
0xa: {  	s4 =	sadd.s32 s4, s8;
	s5 =	sshrl.u32 s5, $0x3;
	s0 =	sadd.s32 s0, s6  }
0xb: {  	s20 =	sor.u32 $0x10000, s4;
	s22 =	sor.u32 $0xC000, s4;
	s23 =	smax.u32 s7, $0x1  }
0xc: {  	s25 =	sor.u32 $0x8000, s4;
	s26 =	sor.u32 $0x4000, s4;
	s4 =	sshrl.u32 s4, $0x3  }
0xd: {  	[dreg:$0x3] =	wrdreg s0;
	s16 =	sadd.s32 s1, s5;
	s21 =	sshrl.u32 s20, $0x3  }
0xe: {  	[dreg:$0x9] =	wrdreg s23;
	s24 =	sshrl.u32 s22, $0x3;
	s15 =	sadd.s32 s4, s1  }
0xf: {  	s23 =	simm.s32 $0x12400;
	s20 =	simm.s32 $0x8;
	s5 =	sadd.s32 $0x61800, s16  }
0x10: {  	s22 =	simm.s32 $0x9;
	s17 =	sadd.s32 $0x62000, s16;
	[dreg:$0x4] =	wrdreg s5  }
0x11: {  	s4 =	simm.s32 $0x0;
	s18 =	sadd.s32 $0x62800, s16;
	[dreg:$0x5] =	wrdreg s17  }
0x12: {  	s19 =	sadd.s32 $0x63000, s16;
	s0 =	sadd.s32 $0x63800, s16;
	[dreg:$0x6] =	wrdreg s18  }
0x13: {  	s12 =	sadd.s32 s24, s1;
	s24 =	simm.s32 $0xA;
	[dreg:$0x7] =	wrdreg s19  }
0x14: {  	[dreg:$0x8] =	wrdreg s0;
	s0 =	sadd.s32 s21, s1;
	s5 =	sshrl.u32 s26, $0x3  }
0x15: {  	s17 =	simm.s32 $0x80;
	s18 =	simm.s32 $0x6400;
	s19 =	simm.s32 $0xA400  }
0x16: {  	s21 =	simm.s32 $0xE400;
	s26 =	simm.s32 $0x1;
	[dreg:$0xa] =	wrdreg s0  }
0x17: {  	s0 =	sshrl.u32 s25, $0x3;
	s14 =	sadd.s32 s5, s1;
	s25 =	simm.s32 $0x16400  }
0x18: {  	s13 =	sadd.s32 s0, s1;
	s0 =	simm.s32 $0x6;
	s1 =	simm.s32 $0x7  }
.LBB2_1:
0x19: {  	s5 =	rddreg [dreg:$0x3];
	s16 =	simm.s32 $0xB  }
0x1a: {  	[tilespmem:s2], [sflag:$0xB] =	stream.linear.gather [hbm4b:s5+s2], $0x6400, $0x38;
	[tilespmem:$0x1A400] =	vst v63  }
0x1b: {  	_ =	swait.ge [sflag:s16], $0x6400  }
0x1c: {  	[sflag:s16] =	ssyncset.done $0x0  }
0x1d: {  	[sflag:s16] =	ssyncadd.s32 $0xFFFF9C00  }
0x1e: {  	[tilespmem:s18], [sflag:$0x1] =	stream.indirect.gather [hbm4b:s3+s17], $0x80, s2, s17, $0xb8;
	[tilespmem:$0x1A400] =	vst v63  }
0x1f: {  	_ = 	snop  }
0x20: {  	[tilespmem:s19], [sflag:$0x2] =	stream.indirect.gather [hbm4b:s3+s17], $0x80, s17, s17, $0xb8;
	[tilespmem:$0x1A400] =	vst v63  }
0x21: {  	s6 =	simm.s32 $0x100  }
0x22: {  	[tilespmem:s21], [sflag:$0x3] =	stream.indirect.gather [hbm4b:s3+s17], $0x80, s6, s17, $0xb8;
	[tilespmem:$0x1A400] =	vst v63  }
0x23: {  	s7 =	simm.s32 $0x180  }
0x24: {  	[tilespmem:s23], [sflag:$0x4] =	stream.indirect.gather [hbm4b:s3+s17], $0x80, s7, s17, $0xb8;
	[tilespmem:$0x1A400] =	vst v63  }
0x25: {  	s8 =	simm.s32 $0x200  }
0x26: {  	[tilespmem:s25], [sflag:$0x5] =	stream.indirect.gather [hbm4b:s3+s17], $0x80, s8, s17, $0xb8;
	[tilespmem:$0x1A400] =	vst v63  }
0x27: {  	_ =	swait.ge [sflag:s26], $0x4000  }
0x28: {  	[sflag:s26] =	ssyncset.done $0x0  }
0x29: {  	[sflag:s26] =	ssyncadd.s32 $0xFFFFC000  }
0x2a: {  	[hbm4b:s15+s2] =	stream.linear.scatter [tilespmem:s18], [sflag:$0x6], $0x4000, $0x38;
	[tilespmem:$0x1A400] =	vst v63  }
0x2b: {  	_ =	swait.ge [sflag:s28], $0x4000  }
0x2c: {  	[sflag:s28] =	ssyncset.done $0x0  }
0x2d: {  	[sflag:s28] =	ssyncadd.s32 $0xFFFFC000  }
0x2e: {  	[hbm4b:s14+s2] =	stream.linear.scatter [tilespmem:s19], [sflag:$0x7], $0x4000, $0x38;
	[tilespmem:$0x1A400] =	vst v63  }
0x2f: {  	_ =	swait.ge [sflag:s29], $0x4000  }
0x30: {  	[sflag:s29] =	ssyncset.done $0x0  }
0x31: {  	[sflag:s29] =	ssyncadd.s32 $0xFFFFC000  }
0x32: {  	[hbm4b:s13+s2] =	stream.linear.scatter [tilespmem:s21], [sflag:$0x8], $0x4000, $0x38;
	[tilespmem:$0x1A400] =	vst v63  }
0x33: {  	_ =	swait.ge [sflag:s30], $0x4000  }
0x34: {  	[sflag:s30] =	ssyncset.done $0x0  }
0x35: {  	[sflag:s30] =	ssyncadd.s32 $0xFFFFC000  }
0x36: {  	[hbm4b:s12+s2] =	stream.linear.scatter [tilespmem:s23], [sflag:$0x9], $0x4000, $0x38;
	[tilespmem:$0x1A400] =	vst v63  }
0x37: {  	_ =	swait.ge [sflag:s31], $0x4000  }
0x38: {  	[sflag:s31] =	ssyncset.done $0x0  }
0x39: {  	s10 =	rddreg [dreg:$0xa];
	[sflag:s31] =	ssyncadd.s32 $0xFFFFC000  }
0x3a: {  	[hbm4b:s10+s2] =	stream.linear.scatter [tilespmem:s25], [sflag:$0xA], $0x4000, $0x38;
	[tilespmem:$0x1A400] =	vst v63  }
0x3b: {  	_ =	swait.ge [sflag:s0], $0x4000  }
0x3c: {  	[sflag:s0] =	ssyncset.done $0x0  }
0x3d: {  	s9 =	simm.s32 $0x280;
	[sflag:s0] =	ssyncadd.s32 $0xFFFFC000  }
0x3e: {  	[tilespmem:s18], [sflag:$0x1] =	stream.indirect.gather [hbm4b:s3+s17], $0x80, s9, s17, $0xb8;
	[tilespmem:$0x1A400] =	vst v63  }
0x3f: {  	_ =	swait.ge [sflag:s1], $0x4000  }
0x40: {  	[sflag:s1] =	ssyncset.done $0x0  }
0x41: {  	s11 =	simm.s32 $0x300;
	[sflag:s1] =	ssyncadd.s32 $0xFFFFC000  }
0x42: {  	[tilespmem:s19], [sflag:$0x2] =	stream.indirect.gather [hbm4b:s3+s17], $0x80, s11, s17, $0xb8;
	[tilespmem:$0x1A400] =	vst v63  }
0x43: {  	_ =	swait.ge [sflag:s20], $0x4000  }
0x44: {  	[sflag:s20] =	ssyncset.done $0x0  }
0x45: {  	s16 =	simm.s32 $0x380;
	[sflag:s20] =	ssyncadd.s32 $0xFFFFC000  }
0x46: {  	[tilespmem:s21], [sflag:$0x3] =	stream.indirect.gather [hbm4b:s3+s17], $0x80, s16, s17, $0xb8;
	[tilespmem:$0x1A400] =	vst v63  }
0x47: {  	_ =	swait.ge [sflag:s22], $0x4000  }
0x48: {  	[sflag:s22] =	ssyncset.done $0x0  }
0x49: {  	s5 =	simm.s32 $0xA00;
	s6 =	simm.s32 $0x400;
	[sflag:s22] =	ssyncadd.s32 $0xFFFFC000  }
0x4a: {  	[tilespmem:s23], [sflag:$0x4] =	stream.indirect.gather [hbm4b:s3+s17], $0x80, s6, s17, $0xb8;
	[tilespmem:$0x1A400] =	vst v63  }
0x4b: {  	s7 =	sadd.s32 $0x2800, s15;
	s8 =	sadd.s32 $0x2800, s12;
	_ =	swait.ge [sflag:s24], $0x4000  }
0x4c: {  	s10 =	sadd.s32 $0x2800, s10;
	s9 =	sadd.s32 $0x2800, s13;
	[sflag:s24] =	ssyncset.done $0x0  }
0x4d: {  	s16 =	simm.s32 $0x480;
	s6 =	sadd.s32 $0x2800, s14;
	[sflag:s24] =	ssyncadd.s32 $0xFFFFC000  }
.LBB2_2:
0x4e: {  	[tilespmem:s25], [sflag:$0x5] =	stream.indirect.gather [hbm4b:s3+s17], $0x80, s16, s17, $0xb8;
	[tilespmem:$0x1A400] =	vst v63  }
0x4f: {  	s16 =	smov.u32 s5  }
0x50: {  	p0 =	sne.s32 s5, $0x17C00;
	s5 =	sadd.s32 $0xA00, s5;
	_ =	swait.ge [sflag:s26], $0x4000  }
0x51: {  	[sflag:s26] =	ssyncset.done $0x0  }
0x52: {  	[sflag:s26] =	ssyncadd.s32 $0xFFFFC000  }
0x53: {  	[hbm4b:s7+s2] =	stream.linear.scatter [tilespmem:s18], [sflag:$0x6], $0x4000, $0x38;
	[tilespmem:$0x1A400] =	vst v63  }
0x54: {  	_ =	swait.ge [sflag:s28], $0x4000  }
0x55: {  	[sflag:s28] =	ssyncset.done $0x0  }
0x56: {  	[sflag:s28] =	ssyncadd.s32 $0xFFFFC000  }
0x57: {  	[hbm4b:s6+s2] =	stream.linear.scatter [tilespmem:s19], [sflag:$0x7], $0x4000, $0x38;
	[tilespmem:$0x1A400] =	vst v63  }
0x58: {  	_ =	swait.ge [sflag:s29], $0x4000  }
0x59: {  	[sflag:s29] =	ssyncset.done $0x0  }
0x5a: {  	[sflag:s29] =	ssyncadd.s32 $0xFFFFC000  }
0x5b: {  	[hbm4b:s9+s2] =	stream.linear.scatter [tilespmem:s21], [sflag:$0x8], $0x4000, $0x38;
	[tilespmem:$0x1A400] =	vst v63  }
0x5c: {  	_ =	swait.ge [sflag:s30], $0x4000  }
0x5d: {  	[sflag:s30] =	ssyncset.done $0x0  }
0x5e: {  	[sflag:s30] =	ssyncadd.s32 $0xFFFFC000  }
0x5f: {  	[hbm4b:s8+s2] =	stream.linear.scatter [tilespmem:s23], [sflag:$0x9], $0x4000, $0x38;
	[tilespmem:$0x1A400] =	vst v63  }
0x60: {  	_ =	swait.ge [sflag:s31], $0x4000  }
0x61: {  	[sflag:s31] =	ssyncset.done $0x0  }
0x62: {  	[sflag:s31] =	ssyncadd.s32 $0xFFFFC000  }
0x63: {  	[hbm4b:s10+s2] =	stream.linear.scatter [tilespmem:s25], [sflag:$0xA], $0x4000, $0x38;
	[tilespmem:$0x1A400] =	vst v63  }
0x64: {  	_ =	swait.ge [sflag:s0], $0x4000  }
0x65: {  	s16 =	sshra.s32 s16, $0x2;
	[sflag:s0] =	ssyncset.done $0x0  }
0x66: {  	s11 =	sadd.s32 $0x280, s16;
	[sflag:s0] =	ssyncadd.s32 $0xFFFFC000  }
0x67: {  	[tilespmem:s18], [sflag:$0x1] =	stream.indirect.gather [hbm4b:s3+s17], $0x80, s11, s17, $0xb8;
	[tilespmem:$0x1A400] =	vst v63  }
0x68: {  	_ =	swait.ge [sflag:s1], $0x4000  }
0x69: {  	[sflag:s1] =	ssyncset.done $0x0  }
0x6a: {  	s11 =	sadd.s32 $0x300, s16;
	[sflag:s1] =	ssyncadd.s32 $0xFFFFC000  }
0x6b: {  	[tilespmem:s19], [sflag:$0x2] =	stream.indirect.gather [hbm4b:s3+s17], $0x80, s11, s17, $0xb8;
	[tilespmem:$0x1A400] =	vst v63  }
0x6c: {  	_ =	swait.ge [sflag:s20], $0x4000  }
0x6d: {  	[sflag:s20] =	ssyncset.done $0x0  }
0x6e: {  	s11 =	sadd.s32 $0x380, s16;
	[sflag:s20] =	ssyncadd.s32 $0xFFFFC000  }
0x6f: {  	[tilespmem:s21], [sflag:$0x3] =	stream.indirect.gather [hbm4b:s3+s17], $0x80, s11, s17, $0xb8;
	[tilespmem:$0x1A400] =	vst v63  }
0x70: {  	_ =	swait.ge [sflag:s22], $0x4000  }
0x71: {  	[sflag:s22] =	ssyncset.done $0x0  }
.Ltmp0:
0x72: {  	s11 =	sadd.s32 $0x400, s16;
	[sflag:s22] =	ssyncadd.s32 $0xFFFFC000;
	(pc) =	sbr.rel @p0 .LBB2_2-.Ltmp0, $4  }
0x73: {  	[tilespmem:s23], [sflag:$0x4] =	stream.indirect.gather [hbm4b:s3+s17], $0x80, s11, s17, $0xb8;
	[tilespmem:$0x1A400] =	vst v63  }
0x74: {  	s7 =	sadd.s32 $0x2800, s7;
	s6 =	sadd.s32 $0x2800, s6;
	_ =	swait.ge [sflag:s24], $0x4000  }
0x75: {  	s9 =	sadd.s32 $0x2800, s9;
	s8 =	sadd.s32 $0x2800, s8;
	[sflag:s24] =	ssyncset.done $0x0  }
0x76: {  	s10 =	sadd.s32 $0x2800, s10;
	s16 =	sadd.s32 $0x480, s16;
	[sflag:s24] =	ssyncadd.s32 $0xFFFFC000  }
0x77: {  	[tilespmem:s25], [sflag:$0x5] =	stream.indirect.gather [hbm4b:s3+s17], $0x80, s16, s17, $0xb8;
	[tilespmem:$0x1A400] =	vst v63  }
0x78: {  	_ =	swait.ge [sflag:s26], $0x4000  }
0x79: {  	[sflag:s26] =	ssyncset.done $0x0  }
0x7a: {  	s5 =	rddreg [dreg:$0x4];
	[sflag:s26] =	ssyncadd.s32 $0xFFFFC000  }
0x7b: {  	[hbm4b:s5+s2] =	stream.linear.scatter [tilespmem:s18], [sflag:$0x6], $0x4000, $0x38;
	[tilespmem:$0x1A400] =	vst v63  }
0x7c: {  	_ =	swait.ge [sflag:s28], $0x4000  }
0x7d: {  	[sflag:s28] =	ssyncset.done $0x0  }
0x7e: {  	s8 =	rddreg [dreg:$0x5];
	[sflag:s28] =	ssyncadd.s32 $0xFFFFC000  }
0x7f: {  	[hbm4b:s8+s2] =	stream.linear.scatter [tilespmem:s19], [sflag:$0x7], $0x4000, $0x38;
	[tilespmem:$0x1A400] =	vst v63  }
0x80: {  	_ =	swait.ge [sflag:s29], $0x4000  }
0x81: {  	[sflag:s29] =	ssyncset.done $0x0  }
0x82: {  	s9 =	rddreg [dreg:$0x6];
	[sflag:s29] =	ssyncadd.s32 $0xFFFFC000  }
0x83: {  	[hbm4b:s9+s2] =	stream.linear.scatter [tilespmem:s21], [sflag:$0x8], $0x4000, $0x38;
	[tilespmem:$0x1A400] =	vst v63  }
0x84: {  	_ =	swait.ge [sflag:s30], $0x4000  }
0x85: {  	[sflag:s30] =	ssyncset.done $0x0  }
0x86: {  	s10 =	rddreg [dreg:$0x7];
	[sflag:s30] =	ssyncadd.s32 $0xFFFFC000  }
0x87: {  	[hbm4b:s10+s2] =	stream.linear.scatter [tilespmem:s23], [sflag:$0x9], $0x4000, $0x38;
	[tilespmem:$0x1A400] =	vst v63  }
0x88: {  	_ =	swait.ge [sflag:s31], $0x4000  }
0x89: {  	[sflag:s31] =	ssyncset.done $0x0  }
0x8a: {  	s11 =	rddreg [dreg:$0x8];
	[sflag:s31] =	ssyncadd.s32 $0xFFFFC000  }
0x8b: {  	[hbm4b:s11+s2] =	stream.linear.scatter [tilespmem:s25], [sflag:$0xA], $0x4000, $0x38;
	[tilespmem:$0x1A400] =	vst v63  }
0x8c: {  	_ =	swait.ge [sflag:s0], $0x4000  }
0x8d: {  	[sflag:s0] =	ssyncset.done $0x0  }
0x8e: {  	[sflag:s0] =	ssyncadd.s32 $0xFFFFC000  }
0x8f: {  	_ =	swait.ge [sflag:s1], $0x4000  }
0x90: {  	[sflag:s1] =	ssyncset.done $0x0  }
0x91: {  	[sflag:s1] =	ssyncadd.s32 $0xFFFFC000  }
0x92: {  	_ =	swait.ge [sflag:s20], $0x4000  }
0x93: {  	[sflag:s20] =	ssyncset.done $0x0  }
0x94: {  	[sflag:s20] =	ssyncadd.s32 $0xFFFFC000  }
0x95: {  	_ =	swait.ge [sflag:s22], $0x4000  }
0x96: {  	[sflag:s22] =	ssyncset.done $0x0  }
0x97: {  	[sflag:s22] =	ssyncadd.s32 $0xFFFFC000  }
0x98: {  	_ =	swait.ge [sflag:s24], $0x4000  }
0x99: {  	s4 =	sadd.s32 $0x1, s4;
	s16 =	rddreg [dreg:$0x9]  }
0x9a: {  	p0 =	sne.s32 s4, s16  }
.Ltmp1:
0x9b: {  	_ = 	snop;
	(pc) =	sbr.rel @p0 .LBB2_1-.Ltmp1, $3  }
0x9c: {  	_ =	sdelay $0x1  }
0x9d: {  	[sflag:s24] =	ssyncset.done $0x0  }
0x9e: {  	[sflag:s24] =	ssyncadd.s32 $0xFFFFC000  }
0x9f: {  	_ =	sfence.sel $0x180000  }
0xa0: {  	[bflag:$0x0] =	sbarrier.arrive $0xFFFF  }
0xa1: {  	_ =	strace $0x90000047  }
0xa2: {  	s0 =	stileid.u32;
	[bflag:$0x2] =	sbarrier.arrive $0xFFFF  }
0xa3: {  	p0 =	sne.s32 s0, $0x0;
	s0 =	rddreg [dreg:$0x2]  }
0xa4: {  	s0 =	sadd.s32 @!p0 $0x100000, s0  }
0xa5: {  	[sflag:s0] =	ssyncadd.tile.s32 @!p0 $0x1;
	_ =	shalt  }
.Lfunc_end2:
_tile_overlayer_lowered:
.L_overlay_start_2:
0xa6: {  	(tag) =	ssettag $0x2  }
0xa7: {  	s0 =	rddreg [dreg:$0x0];
	s2 =	stileid.u32  }
0xa8: {  	s1 =	rddreg [dreg:$0x1];
	p0 =	sne.s32 s2, $0x0  }
0xa9: {  	s3 =	rddreg [dreg:$0x2];
	[bflag:$0x3] =	sbarrier.arrive $0xFFFF;
	s2 =	simm.s32 @!p0 $0x1C0B  }
0xaa: {  	[timem:s3], [sflag:s2] =	dma.local @!p0 [hbm:s0], s1  }
0xab: {  	s0 =	simm.s32 @!p0 $0xB  }
0xac: {  	_ =	swait.ge @!p0 [sflag:s0], s1  }
0xad: {  	s1 =	ssub.s32 @!p0 $0x0, s1;
	[sflag:s0] =	ssyncset.done @!p0 $0x0  }
0xae: {  	[sflag:s0] =	ssyncadd.s32 @!p0 s1  }
0xaf: {  	[bflag:$0x3] =	sbarrier.arrive $0xFFFF  }
0xb0: {  	_ =	shalt  }

// kernel: sparse-core-data-format-call.cloned.1.call-start
scs
called_computation_lowered:
.L_overlay_start_0:
0x0: {  	s2 =	sld [smem:$0x3FD9]  }
0x1: {  	s3 =	sld [smem:$0x3FFE];
	_ =	sdelay $0x1  }
0x2: {  	s1 =	srdreg.scid  }
0x3: {  	s0 =	sand.u32 $0x1, s1  }
0x4: {  	s18 =	sshll.u32 s0, $0xA;
	s2 =	sadd.s32 s3, s2  }
0x5: {  	s2 =	sadd.s32 s2, s18  }
0x6: {  	[smem:$0x3FC6] =	sst s2  }
0x7: {  	_ = 	snop  }
0x8: {  	s2 =	sld [smem:$0x3FD0];
	(tm) =	ssettm $0x1  }
0x9: {  	s19 =	sld [smem:$0x3FFB];
	_ =	sdelay $0x3  }
0xa: {  	_ =	strace s19  }
0xb: {  	s3 =	sld [smem:$0x3FFC];
	_ =	sdelay $0x3  }
0xc: {  	_ =	strace s3  }
0xd: {  	s3 =	sld [smem:$0x3FFD];
	_ =	sdelay $0x3  }
0xe: {  	_ =	strace s3  }
0xf: {  	_ =	strace $0x8FFFFFFF  }
0x10: {  	s20 =	sld [smem:$0x3FDB];
	_ =	sdelay $0x1  }
0x11: {  	s4 =	simm.s32 $_scs_section_size  }
0x12: {  	s5 =	simm.s32 $_size__tile_overlayer_lowered;
	s6 =	simm.s32 $_tile_overlayer_lowered  }
0x13: {  	s23 =	simm.s32 $0x1BFF;
	s22 =	sshll.u32 s6, $0x1;
	s3 =	sadd.s32 s4, s20  }
0x14: {  	s7 =	simm.s32 $0x0;
	s21 =	sshll.u32 s5, $0x1;
	s5 =	sadd.s32 s22, s3  }
0x15: {  	[timem:s7], [sflag:s23] =	dma.local [hbm:s5], s21  }
0x16: {  	_ =	swait.ge [sflag:s23], s21  }
0x17: {  	s4 =	ssub.s32 $0x0, s21;
	[sflag:s23] =	ssyncset.done $0x0  }
0x18: {  	[sflag:s23] =	ssyncadd.s32 s4;
	_ =	sdelay $0x1  }
0x19: {  	s24 =	simm.s32 $0x1B8B  }
0x1a: {  	_ =	swait.ge [sflag:s24], $0x1  }
0x1b: {  	[sflag:s24] =	ssyncset.done $0x0  }
0x1c: {  	s26 =	simm.s32 $0x1B8E;
	s25 =	sld [smem:$0x3FFE];
	[sflag:s24] =	ssyncadd.s32 $0xFFFFFFFF  }
0x1d: {  	s27 =	simm.s32 $execute0_lowered;
	[smem:$0x3FD2] =	sst s26  }
0x1e: {  	s5 =	sshll.u32 s27, $0x1;
	_ =	strace $0x80000049;
	[dreg:$0x1] =	wrdreg $0xFFFFFFFF  }
0x1f: {  	s28 =	simm.s32 $_size_execute0_lowered;
	s3 =	sadd.s32 s3, s5;
	[dreg:$0x0] =	wrdreg $0x0  }
0x20: {  	s5 =	sshll.u32 s28, $0x1;
	[dreg:$0x2] =	wrdreg s3  }
0x21: {  	[dreg:$0x3] =	wrdreg s5  }
0x22: {  	[dreg:$0x4] =	wrdreg $0xC0  }
0x23: {  	_ =	task [dreg:s7], $0x5FFFF  }
0x24: {  	[dreg:$0x1] =	wrdreg $0xFFFFFFFF  }
0x25: {  	[dreg:$0x0] =	wrdreg $0x60  }
0x26: {  	[dreg:$0x2] =	wrdreg s25  }
0x27: {  	[dreg:$0x3] =	wrdreg s2  }
0x28: {  	[dreg:$0x4] =	wrdreg $0x9  }
0x29: {  	_ =	task.clear_ibuf [dreg:s7], $0x5FFFF;
	_ =	strace $0x90000049  }
0x2a: {  	s29 =	simm.s32 $0x9;
	_ =	strace $0x8000004B  }
0x2b: {  	_ =	swait.ge [sflag:s29], $0x1  }
0x2c: {  	[sflag:s29] =	ssyncadd.s32 $0xFFFFFFFF  }
0x2d: {  	_ =	strace $0x9000004B  }
0x2e: {  	_ =	sfence  }
0x2f: {  	s30 =	sld [smem:$0x0];
	_ =	sdelay $0x2  }
0x30: {  	s31 =	sshll.u32 s1, $0xD;
	s1 =	sshrl.u32 s1, $0x2  }
0x31: {  	s3 =	sand.u32 $0x4000, s31;
	s1 =	sadd.s32 s1, s30  }
0x32: {  	s0 =	sor.u32 s3, s0;
	s1 =	sshll.u32 s1, $0x11  }
0x33: {  	s0 =	sor.u32 s1, s0  }
0x34: {  	s0 =	sadd.s32 $0x8F2B, s0  }
0x35: {  	[sflag:s0] =	ssyncadd.remote.s32 $0x1  }
0x36: {  	_ =	sfence.sel $0xFFFF  }
0x37: {  	[dreg:$0x0] =	wrdreg $0xFFFFFFFF;
	(pc) =	sbr.abs _section_cstart, $3  }
0x38: {  	[dreg:$0x1] =	wrdreg $0xFFFFFFFF  }
0x39: {  	_ =	task.clear_ibuf [dreg:s7], $0x2FFFF;
	_ =	strace $0x9FFFFFFF  }
0x3a: {  	(tm) =	ssettm $0x7FFFFFFF  }
0x3b: {  	_ =	shalt  }
tec
execute0_lowered:
.L_overlay_start_1:
0x0: {  	(tag) =	ssettag $0x1  }
0x1: {  	s0 =	srdreg.scid  }
0x2: {  	s1 =	sshll.u32 s0, $0x4  }
0x3: {  	s0 =	stileid.u32;
	s1 =	sand.u32 $0x10, s1  }
0x4: {  	s1 =	sor.u32 s0, s1  }
0x5: {  	s6 =	rddreg [dreg:$0x0];
	s4 =	simm.s32 $0x1;
	s2 =	sshll.u32 s1, $0x7  }
0x6: {  	s7 =	simm.s32 $0x2;
	s12 =	simm.s32 $0x0;
	s1 =	ssub.s32 $0x1000, s2  }
0x7: {  	s8 =	simm.s32 $0x8000;
	s13 =	simm.s32 $0x0;
	s3 =	sand.u32 $0xF80, s1  }
0x8: {  	s9 =	simm.s32 $0x0;
	s5 =	sshrl.u32 s1, $0xC;
	p0 =	sne.s32 s3, $0x0  }
.Ltmp0:
0x9: {  	s1 =	rddreg [dreg:$0x2];
	s4 =	simm.s32 @!p0 $0x0;
	(pc) =	sbr.rel .LBB1_1-.Ltmp0, $4  }
0xa: {  	s11 =	simm.s32 $0x0;
	s3 =	rddreg [dreg:$0x1];
	s5 =	sadd.s32 s4, s5  }
0xb: {  	_ =	strace $0x8000004A;
	s4 =	simm.s32 $0x1;
	s5 =	smul.u32 $0xC8, s5  }
0xc: {  	s6 =	sadd.s32 $0xA00, s6;
	s10 =	smov.u32 s2;
	[sflag:s4] =	ssyncpa.u1 $0x0  }
0xd: {  	p0 =	por $0x0, $0x0;
	[sflag:s7] =	ssyncpa.u1 $0x0;
	s7 =	sor.u32 $0x1, s5  }
.LBB1_4:
0xe: {  	s16 =	sshll.u32 s13, $0x3;
	s17 =	sand.u32 $0x78, s13  }
0xf: {  	s30 =	sand.u32 $0x7E00, s13;
	s12 =	sshll.u32 s12, $0xF;
	s16 =	sand.u32 $0xC00, s16  }
0x10: {  	[tilespmem:s15+$0x810 ss:$0x81] =	vst.msk $0xffff, v2;
	s31 =	sand.u32 $0x7, s13;
	s16 =	sor.u32 s17, s16;
	s17 =	sadd.s32 s3, s30  }
0x11: {  	[tilespmem:s15+$0x1020 ss:$0x81] =	vst.msk $0xffff, v0;
	s13 =	sshll.u32 s31, $0x12;
	s12 =	sadd.s32 s12, s17;
	s16 =	sshrl.u32 s16, $0x3  }
0x12: {  	[tilespmem:s15+$0x0 ss:$0x81] =	vst.msk $0xffff, v1;
	s13 =	sor.u32 $0x400, s13;
	s12 =	sadd.s32 s16, s12  }
0x13: {  	[hbm4b:s12+s13] =	stream.strided.scatter [tilespmem:s14], [sflag:$0x2], $0x2000, s8, s13, $0x20;
	[tilespmem:$0x8080] =	vst v63  }
.LBB1_5:
0x14: {  	s14 =	sadd.s32 $0x1, s9  }
0x15: {  	s12 =	sadd.s32 $0x1000, s10;
	s16 =	smov.u32 s10;
	p2 =	sgt.s32 s14, $0xC7  }
0x16: {  	s16 =	smov.u32 @p2 s12  }
0x17: {  	s14 =	simm.s32 @p2 $0x0;
	p2 =	sgt.s32 s16, $0xFFF  }
0x18: {  	s16 =	smov.u32 @p2 s2;
	p2 =	sne.s32 s11, s7  }
.Ltmp1:
0x19: {  	p1 =	slt.u32 s11, $0x2;
	(pc) =	sbr.rel @!p2 .LBB1_6-.Ltmp1, $4  }
0x1a: {  	s15 =	simm.s32 @!p1 $0x2  }
0x1b: {  	s13 =	smov.u32 s10;
	p0 =	por !p0, !p0;
	_ =	swait.ge @!p1 [sflag:s15], $0x2000  }
0x1c: {  	s12 =	smov.u32 s9;
	[sflag:s15] =	ssyncset.done @!p1 $0x0;
	s9 =	smov.u32 s14  }
0x1d: {  	s11 =	sadd.s32 $0x1, s11;
	[sflag:s15] =	ssyncadd.s32 @!p1 $0xFFFFE000;
	s10 =	smov.u32 s16  }
.LBB1_1:
0x1e: {  	p1 =	sge.u32 s11, s5  }
0x1f: {  	s14 =	sand.u32 @!p1 $0x1FFFFFF, s9  }
0x20: {  	s15 =	smulhi.u32 @!p1 $0x147AE15, s14;
	_ =	sdelay $0x1  }
0x21: {  	s15 =	smul.u32 @!p1 $0xC8, s15  }
0x22: {  	s16 =	sxor.u32 @!p1 $0xFFFFFFFF, s11;
	s17 =	smul.u32 @!p1 $0xC80, s10  }
0x23: {  	s31 =	sadd.s32 $0xFFFFFFFF, s11;
	s16 =	sshll.u32 @!p1 s16, $0xD;
	s14 =	ssub.s32 @!p1 s14, s15  }
0x24: {  	s15 =	sand.u32 @!p1 $0x2000, s16;
	s16 =	sadd.s32 @!p1 s6, s17;
	s14 =	sshll.u32 @!p1 s14, $0x4  }
0x25: {  	s17 =	simm.s32 @!p1 $0x6400;
	s14 =	sadd.s32 @!p1 s14, s16;
	s16 =	simm.s32 @!p1 $0x40  }
0x26: {  	[tilespmem:s15], [sflag:$0x1] =	stream.strided.gather @!p1 [hbm4b:s14+s16], $0x2000, s17, s16, $0x38;
	[tilespmem:$0x8080] =	vst v63  }
0x27: {  	p1 =	sge.u32 s31, s5  }
.Ltmp2:
0x28: {  	_ = 	snop;
	(pc) =	sbr.rel @p1 .LBB1_5-.Ltmp2, $1  }
0x29: {  	_ =	sdelay $0x3  }
0x2a: {  	s14 =	simm.s32 $0x1  }
0x2b: {  	_ =	swait.ge [sflag:s4], $0x2000;
	s14 =	simm.s32 @!p0 $0x0  }
0x2c: {  	[sflag:s4] =	ssyncset.done $0x0;
	s15 =	sshll.u32 s14, $0xD  }
0x2d: {  	[sflag:s4] =	ssyncadd.s32 $0xFFFFE000;
	s18 =	sor.u32 $0x20, s15  }
0x2e: {  	s14 =	smul.u32 $0x8100, s14;
	v3 =	vld [tilespmem:s18+$0x10]  }
0x2f: {  	s30 =	sand.u32 $0x1, s11;
	v2 =	vld [tilespmem:s18+$0xFFFFFFF0]  }
0x30: {  	s15 =	smul.u32 $0x8100, s30;
	s14 =	sshrl.u32 s14, $0x2;
	v0 =	vld [tilespmem:s18+$0x0]  }
0x31: {  	v1 =	vld [tilespmem:s18+$0xFFFFFFE0];
	s16 =	sor.u32 $0x4000, s14  }
0x32: {  	s31 =	sshrl.u32 s15, $0x2;
	s15 =	sadd.s32 $0x0, s16  }
0x33: {  	s17 =	simm.s32 $0x4;
	s18 =	sadd.s32 $0x40, s18;
	s14 =	sor.u32 $0x4000, s31;
	[tilespmem:s15+$0x1830 ss:$0x81] =	vst.msk $0xffff, v3  }
.LBB1_3:
0x34: {  	v3 =	vld [tilespmem:s18+$0x10];
	p1 =	sne.s32 s17, $0x1FC;
	[tilespmem:s15+$0x810 ss:$0x81] =	vst.msk $0xffff, v2;
	s19 =	smov.u32 s17;
	s17 =	sadd.s32 $0x4, s17  }
.Ltmp3:
0x35: {  	v2 =	vld [tilespmem:s18+$0xFFFFFFF0];
	[tilespmem:s15+$0x1020 ss:$0x81] =	vst.msk $0xffff, v0;
	(pc) =	sbr.rel @p1 .LBB1_3-.Ltmp3, $4  }
0x36: {  	v0 =	vld [tilespmem:s18+$0x0];
	[tilespmem:s15+$0x0 ss:$0x81] =	vst.msk $0xffff, v1  }
0x37: {  	s15 =	sshra.s32 s19, $0x2;
	v1 =	vld [tilespmem:s18+$0xFFFFFFE0]  }
0x38: {  	s15 =	sadd.s32 s15, s16  }
0x39: {  	s18 =	sadd.s32 $0x40, s18;
	[tilespmem:s15+$0x1830 ss:$0x81] =	vst.msk $0xffff, v3  }
.Ltmp4:
0x3a: {  	_ = 	snop;
	(pc) =	sbr.rel .LBB1_4-.Ltmp4, $1  }
0x3b: {  	_ =	sdelay $0x3  }
.LBB1_6:
0x3c: {  	_ =	sfence.sel $0x180000  }
0x3d: {  	s2 =	simm.s32 $0x1;
	[bflag:$0x0] =	sbarrier.arrive $0xFFFF  }
0x3e: {  	s31 =	simm.s32 $0x2;
	[sflag:s2] =	ssyncpa.u1 $0x1  }
0x3f: {  	[sflag:s31] =	ssyncpa.u1 $0x1  }
0x40: {  	p0 =	sne.s32 s0, $0x0;
	_ =	strace $0x9000004A  }
0x41: {  	s0 =	sadd.s32 @!p0 $0x100000, s1;
	[bflag:$0x2] =	sbarrier.arrive $0xFFFF  }
0x42: {  	[sflag:s0] =	ssyncadd.tile.s32 @!p0 $0x1;
	_ =	shalt  }
.Lfunc_end1:
_tile_overlayer_lowered:
.L_overlay_start_2:
0x43: {  	(tag) =	ssettag $0x2  }
0x44: {  	s0 =	rddreg [dreg:$0x0];
	s2 =	stileid.u32  }
0x45: {  	s1 =	rddreg [dreg:$0x1];
	p0 =	sne.s32 s2, $0x0  }
0x46: {  	s3 =	rddreg [dreg:$0x2];
	[bflag:$0x3] =	sbarrier.arrive $0xFFFF;
	s2 =	simm.s32 @!p0 $0x1C01  }
0x47: {  	[timem:s3], [sflag:s2] =	dma.local @!p0 [hbm:s0], s1  }
0x48: {  	s0 =	simm.s32 @!p0 $0x1  }
0x49: {  	_ =	swait.ge @!p0 [sflag:s0], s1  }
0x4a: {  	s1 =	ssub.s32 @!p0 $0x0, s1;
	[sflag:s0] =	ssyncset.done @!p0 $0x0  }
0x4b: {  	[sflag:s0] =	ssyncadd.s32 @!p0 s1  }
0x4c: {  	[bflag:$0x3] =	sbarrier.arrive $0xFFFF  }
0x4d: {  	_ =	shalt  }

</sc_bundles>
